<compile_context>
chip_gen: v7x
topology: tpu7x:2x2x1
jax: 0.10.2.dev20260603
libtpu: 0.0.44.dev20260713+nightly
codegen_flags: <defaults>
</compile_context>

<pallas_src>
import functools

import jax
import jax.numpy as jnp
from jax import lax
from jax.experimental import pallas as pl
from jax.experimental.pallas import tpu as pltpu
from jax.experimental.pallas import tpu_sc as plsc

VOCAB = 1_000_000
D = 20
PAD_IDX = 4

_info = plsc.get_sparse_core_info()
NC, NS, L = _info.num_cores, _info.num_subcores, _info.num_lanes
NW = NC * NS

B_TOTAL = 16384 * 30
B_PER_W = B_TOTAL // NW
C = 1024
N_CHUNKS = B_PER_W // C
IDX_ROWS = C // 128
G_STREAMS = 2 * C // 128
X_ROWS_PER_W = B_PER_W // 128


def _body(x_hbm, tbl16_hbm, out_hbm, idx_v, dma_idx_v, pad_v, outb_v, sem):
    wid = lax.axis_index("s") * NC + lax.axis_index("c")
    lane = lax.iota(jnp.int32, L)
    lane2 = lane * 2
    zeros = jnp.zeros((L,), jnp.float32)
    ones = jnp.ones((L,), jnp.float32)

    def chunk(g, _):
        xrow0 = wid * X_ROWS_PER_W + g * IDX_ROWS
        base = wid * B_PER_W + g * C

        pltpu.sync_copy(x_hbm.at[pl.ds(xrow0, IDX_ROWS)], idx_v)

        def build(k, _):
            xr = idx_v[k // 8, pl.ds((k % 8) * L, L)]
            j0 = (xr * 5) >> 2
            row = jnp.full((L,), 0, jnp.int32) + (k >> 2)
            col0 = (k % 4) * 32 + lane2
            plsc.store_scatter(dma_idx_v, [row, col0], j0)
            plsc.store_scatter(dma_idx_v, [row, col0 + 1], j0 + 1)
            return _
        lax.fori_loop(0, C // L, build, None, unroll=False)

        copies = [
            pltpu.async_copy(
                tbl16_hbm.at[dma_idx_v.at[j]],
                pad_v.at[pl.ds(j * 128, 128)],
                sem,
            )
            for j in range(G_STREAMS)
        ]
        for cp in copies:
            cp.wait()

        def compact(k, _):
            xr = idx_v[k // 8, pl.ds((k % 8) * L, L)]
            off = (xr & 3) << 2
            mf = jnp.where(xr == PAD_IDX, zeros, ones)
            r = k * L + lane
            r2 = r * 2
            for c in range(D):
                t = off + c
                b = t >> 4
                row = r2 + b
                col = t - (b << 4)
                val = plsc.load_gather(pad_v, [row, col]) * mf
                plsc.store_scatter(outb_v, [r, jnp.full((L,), c, jnp.int32)], val)
            return _
        lax.fori_loop(0, C // L, compact, None, unroll=False)

        pltpu.sync_copy(outb_v, out_hbm.at[pl.ds(base, C)])
        return _

    lax.fori_loop(0, N_CHUNKS, chunk, None, unroll=False)


@functools.partial(jax.jit, static_argnames=())
def kernel(x, table):
    x2 = x.reshape(-1, 128)
    tbl16 = table.reshape(VOCAB * D // 16, 16)
    mesh = plsc.VectorSubcoreMesh(core_axis_name="c", subcore_axis_name="s")
    out = pl.kernel(
        _body,
        out_type=jax.ShapeDtypeStruct((B_TOTAL, D), jnp.float32),
        mesh=mesh,
        scratch_types=[
            pltpu.VMEM((IDX_ROWS, 128), jnp.int32),
            pltpu.VMEM((G_STREAMS, 128), jnp.int32),
            pltpu.VMEM((2 * C, 16), jnp.float32),
            pltpu.VMEM((C, D), jnp.float32),
            pltpu.SemaphoreType.DMA,
        ],
        compiler_params=pltpu.CompilerParams(
            use_tc_tiling_on_sc=False, needs_layout_passes=False
        ),
    )(x2, tbl16)
    return out.reshape(16384, 30, D)

# --- scband reference (transcript-rebuilt; emitter-appended) ---
"""Pipeline reference for scband-embedding-18906446037343 (READ-ONLY COPY).

The authoritative reference and input builder live on the scoring server;
editing this copy changes nothing except your own understanding.
"""

import jax, jax.numpy as jnp
import numpy as np

VOCAB_SIZE = 1000000
D_MODEL = 20
PADDING_SIZE = 30
PAD = 4

def setup_inputs(seed: int = 0) -> dict:
    key = jax.random.key(seed)
    k1, k2 = jax.random.split(key)
    x = jax.random.randint(k1, (16384, PADDING_SIZE), 0, VOCAB_SIZE, dtype=jnp.int64 if jax.config.jax_enable_x64 else jnp.int32)
    x = x.astype(jnp.int32)
    table = jax.random.normal(k2, (VOCAB_SIZE, D_MODEL), dtype=jnp.float32)
    return {"x": x, "table": table}

def reference(x, table):
    # Original forward pads/truncates python lists to padding_size=30;
    # inputs here are already [B, padding_size], so that loop is identity.
    # nn.Embedding with padding_idx=PAD: the PAD row embeds to zero.
    t = table.at[PAD].set(0.0)
    out = jnp.take(t, x, axis=0)
    return out

if __name__ == "__main__":
    import jax
    _d = setup_inputs()
    print(jax.jit(kernel)(*tuple(_d.values())))

</pallas_src>

<mosaic_0001>
#map = affine_map<(d0, d1) -> (0, 0)>
module attributes {stable_mosaic.version = 14 : i64} {
  func.func @_body(%arg0: i32, %arg1: i32, %arg2: memref<3840x128xi32, #tpu.memory_space<hbm>>, %arg3: memref<1250000x16xf32, #tpu.memory_space<hbm>>, %arg4: memref<491520x20xf32, #tpu.memory_space<hbm>>, %arg5: memref<8x128xi32, #tpu.memory_space<vmem>>, %arg6: memref<16x128xi32, #tpu.memory_space<vmem>>, %arg7: memref<2048x16xf32, #tpu.memory_space<vmem>>, %arg8: memref<1024x20xf32, #tpu.memory_space<vmem>>, %arg9: memref<!tpu.dma_semaphore, #tpu.memory_space<semaphore_mem>>) attributes {dimension_semantics = [#tpu.dimension_semantics<core_parallel>, #tpu.dimension_semantics<subcore_parallel>], iteration_bounds = array<i64: 2, 16>, scalar_prefetch = 0 : i64, scratch_operands = 5 : i64, tpu.core_type = #tpu.core_type<sc_vector_subcore>, window_params = [{transform_indices = #map}, {transform_indices = #map}, {transform_indices = #map}]} {
    %mul3A = arith.constant 2 : i32
    %mul3A_0 = arith.muli %arg1, %mul3A : i32
    %add3A = arith.addi %mul3A_0, %arg0 : i32
    %iota3A = tpu.iota {dimensions = array<i32: 0>} : vector<16xi32>
    %mul3A_1 = arith.constant 2 : i32
    %mul3A_2 = vector.broadcast %mul3A_1 : i32 to vector<16xi32>
    %mul3A_3 = arith.muli %iota3A, %mul3A_2 : vector<16xi32>
    %broadcast_in_dim3A = arith.constant 0.000000e+00 : f32
    %broadcast_in_dim3A_4 = vector.broadcast %broadcast_in_dim3A : f32 to vector<16xf32>
    %broadcast_in_dim3A_5 = arith.constant 1.000000e+00 : f32
    %broadcast_in_dim3A_6 = vector.broadcast %broadcast_in_dim3A_5 : f32 to vector<16xf32>
    %scan3A = arith.constant 0 : i32
    %scan3A_7 = arith.constant 15 : i32
    %scan3A_8 = arith.addi %scan3A, %scan3A_7 : i32
    %scan3A_9 = arith.constant 1 : i32
    scf.for %scan3A_11 = %scan3A to %scan3A_8 step %scan3A_9  : i32 {
      %mul3A_12 = arith.constant 120 : i32
      %mul3A_13 = arith.muli %add3A, %mul3A_12 : i32
      %mul3A_14 = arith.constant 8 : i32
      %mul3A_15 = arith.muli %scan3A_11, %mul3A_14 : i32
      %add3A_16 = arith.addi %mul3A_13, %mul3A_15 : i32
      %mul3A_17 = arith.constant 15360 : i32
      %mul3A_18 = arith.muli %add3A, %mul3A_17 : i32
      %mul3A_19 = arith.constant 1024 : i32
      %mul3A_20 = arith.muli %scan3A_11, %mul3A_19 : i32
      %add3A_21 = arith.addi %mul3A_18, %mul3A_20 : i32
      "tpu.region"() ({
        %run_scoped3A = tpu.sem_alloc : memref<!tpu.dma_semaphore, #tpu.memory_space<semaphore_mem>>
        %dma_start3A_350 = arith.constant 0 : i32
        %dma_start3A_351 = tpu.memref_slice %arg2[%add3A_16, %dma_start3A_350] : memref<3840x128xi32, #tpu.memory_space<hbm>> -> memref<8x128xi32, #tpu.memory_space<hbm>>
        %dma_start3A_352 = arith.constant 0 : i32
        %dma_start3A_353 = tpu.memref_slice %arg2[%add3A_16, %dma_start3A_352] : memref<3840x128xi32, #tpu.memory_space<hbm>> -> memref<8x128xi32, #tpu.memory_space<hbm>>
        tpu.enqueue_dma source(%dma_start3A_353 : memref<8x128xi32, #tpu.memory_space<hbm>>) target(%arg5 : memref<8x128xi32, #tpu.memory_space<vmem>>) target_semaphore(%run_scoped3A : memref<!tpu.dma_semaphore, #tpu.memory_space<semaphore_mem>>)
        %dma_wait3A_354 = arith.constant 0 : i32
        %dma_wait3A_355 = tpu.memref_slice %arg2[%add3A_16, %dma_wait3A_354] : memref<3840x128xi32, #tpu.memory_space<hbm>> -> memref<8x128xi32, #tpu.memory_space<hbm>>
        %dma_wait3A_356 = arith.constant 0 : i32
        %dma_wait3A_357 = tpu.memref_slice %arg2[%add3A_16, %dma_wait3A_356] : memref<3840x128xi32, #tpu.memory_space<hbm>> -> memref<8x128xi32, #tpu.memory_space<hbm>>
        tpu.wait_dma2 semaphore(%run_scoped3A : memref<!tpu.dma_semaphore, #tpu.memory_space<semaphore_mem>>) src(%dma_wait3A_357 : memref<8x128xi32, #tpu.memory_space<hbm>>) dst(%arg5 : memref<8x128xi32, #tpu.memory_space<vmem>>)
        tpu.yield
      }) : () -> ()
      %scan3A_22 = arith.constant 0 : i32
      %scan3A_23 = arith.constant 64 : i32
      %scan3A_24 = arith.addi %scan3A_22, %scan3A_23 : i32
      %scan3A_25 = arith.constant 1 : i32
      scf.for %scan3A_350 = %scan3A_22 to %scan3A_24 step %scan3A_25  : i32 {
        %jit3A = arith.constant 8 : i32
        %div3A = arith.divsi %scan3A_350, %jit3A : i32
        %sign3A = arith.constant 0 : i32
        %sign3A_351 = arith.cmpi sgt, %scan3A_350, %sign3A : i32
        %sign3A_352 = arith.extui %sign3A_351 : i1 to i32
        %sign3A_353 = arith.constant 0 : i32
        %sign3A_354 = arith.cmpi slt, %scan3A_350, %sign3A_353 : i32
        %sign3A_355 = arith.extui %sign3A_354 : i1 to i32
        %sign3A_356 = arith.subi %sign3A_352, %sign3A_355 : i32
        %sign3A_357 = arith.constant 0 : i32
        %sign3A_358 = arith.cmpi sgt, %jit3A, %sign3A_357 : i32
        %sign3A_359 = arith.extui %sign3A_358 : i1 to i32
        %sign3A_360 = arith.constant 0 : i32
        %sign3A_361 = arith.cmpi slt, %jit3A, %sign3A_360 : i32
        %sign3A_362 = arith.extui %sign3A_361 : i1 to i32
        %sign3A_363 = arith.subi %sign3A_359, %sign3A_362 : i32
        %ne3A = arith.cmpi ne, %sign3A_356, %sign3A_363 : i32
        %rem3A = arith.remsi %scan3A_350, %jit3A : i32
        %ne3A_364 = arith.constant 0 : i32
        %ne3A_365 = arith.cmpi ne, %rem3A, %ne3A_364 : i32
        %and3A = arith.andi %ne3A, %ne3A_365 : i1
        %sub3A = arith.constant 1 : i32
        %sub3A_366 = arith.subi %div3A, %sub3A : i32
        %select_n3A = arith.select %and3A, %sub3A_366, %div3A : i32
        %jit3A_367 = arith.constant 8 : i32
        %eq3A = arith.constant 0 : i32
        %eq3A_368 = arith.cmpi eq, %jit3A_367, %eq3A : i32
        %jit3A_369 = arith.constant 1 : i32
        %select_n3A_370 = arith.select %eq3A_368, %jit3A_369, %jit3A_367 : i32
        %rem3A_371 = arith.remsi %scan3A_350, %select_n3A_370 : i32
        %ne3A_372 = arith.constant 0 : i32
        %ne3A_373 = arith.cmpi ne, %rem3A_371, %ne3A_372 : i32
        %lt3A = arith.constant 0 : i32
        %lt3A_374 = arith.cmpi slt, %rem3A_371, %lt3A : i32
        %lt3A_375 = arith.constant 0 : i32
        %lt3A_376 = arith.cmpi slt, %select_n3A_370, %lt3A_375 : i32
        %ne3A_377 = arith.xori %lt3A_374, %lt3A_376 : i1
        %and3A_378 = arith.andi %ne3A_377, %ne3A_373 : i1
        %add3A_379 = arith.addi %rem3A_371, %select_n3A_370 : i32
        %select_n3A_380 = arith.select %and3A_378, %add3A_379, %rem3A_371 : i32
        %mul3A_381 = arith.constant 16 : i32
        %mul3A_382 = arith.muli %select_n3A_380, %mul3A_381 : i32
        %get3A = arith.index_cast %select_n3A : i32 to index
        %get3A_383 = arith.index_cast %mul3A_382 : i32 to index
        %get3A_384 = tpu.vector_load %arg5[%get3A, %get3A_383] {strides = array<i32>} : memref<8x128xi32, #tpu.memory_space<vmem>>, vector<16xi32>,
        %mul3A_385 = arith.constant 5 : i32
        %mul3A_386 = vector.broadcast %mul3A_385 : i32 to vector<16xi32>
        %mul3A_387 = arith.muli %get3A_384, %mul3A_386 : vector<16xi32>
        %shift_right_arithmetic3A = arith.constant 2 : i32
        %shift_right_arithmetic3A_388 = vector.broadcast %shift_right_arithmetic3A : i32 to vector<16xi32>
        %shift_right_arithmetic3A_389 = arith.shrsi %mul3A_387, %shift_right_arithmetic3A_388 : vector<16xi32>
        %broadcast_in_dim3A_390 = arith.constant 0 : i32
        %broadcast_in_dim3A_391 = vector.broadcast %broadcast_in_dim3A_390 : i32 to vector<16xi32>
        %shift_right_arithmetic3A_392 = arith.constant 2 : i32
        %shift_right_arithmetic3A_393 = arith.shrsi %scan3A_350, %shift_right_arithmetic3A_392 : i32
        %add3A_394 = vector.broadcast %shift_right_arithmetic3A_393 : i32 to vector<16xi32>
        %add3A_395 = arith.addi %broadcast_in_dim3A_391, %add3A_394 : vector<16xi32>
        %jit3A_396 = arith.constant 4 : i32
        %eq3A_397 = arith.constant 0 : i32
        %eq3A_398 = arith.cmpi eq, %jit3A_396, %eq3A_397 : i32
        %jit3A_399 = arith.constant 1 : i32
        %select_n3A_400 = arith.select %eq3A_398, %jit3A_399, %jit3A_396 : i32
        %rem3A_401 = arith.remsi %scan3A_350, %select_n3A_400 : i32
        %ne3A_402 = arith.constant 0 : i32
        %ne3A_403 = arith.cmpi ne, %rem3A_401, %ne3A_402 : i32
        %lt3A_404 = arith.constant 0 : i32
        %lt3A_405 = arith.cmpi slt, %rem3A_401, %lt3A_404 : i32
        %lt3A_406 = arith.constant 0 : i32
        %lt3A_407 = arith.cmpi slt, %select_n3A_400, %lt3A_406 : i32
        %ne3A_408 = arith.xori %lt3A_405, %lt3A_407 : i1
        %and3A_409 = arith.andi %ne3A_408, %ne3A_403 : i1
        %add3A_410 = arith.addi %rem3A_401, %select_n3A_400 : i32
        %select_n3A_411 = arith.select %and3A_409, %add3A_410, %rem3A_401 : i32
        %mul3A_412 = arith.constant 32 : i32
        %mul3A_413 = arith.muli %select_n3A_411, %mul3A_412 : i32
        %add3A_414 = vector.broadcast %mul3A_413 : i32 to vector<16xi32>
        %add3A_415 = arith.addi %add3A_414, %mul3A_3 : vector<16xi32>
        tpu.vector_store_idx %arg6[%add3A_395, %add3A_415], %shift_right_arithmetic3A_389 : memref<16x128xi32, #tpu.memory_space<vmem>>[vector<16xi32>, vector<16xi32>], vector<16xi32>,
        %add3A_416 = arith.constant 1 : i32
        %add3A_417 = vector.broadcast %add3A_416 : i32 to vector<16xi32>
        %add3A_418 = arith.addi %add3A_415, %add3A_417 : vector<16xi32>
        %add3A_419 = arith.constant 1 : i32
        %add3A_420 = vector.broadcast %add3A_419 : i32 to vector<16xi32>
        %add3A_421 = arith.addi %shift_right_arithmetic3A_389, %add3A_420 : vector<16xi32>
        tpu.vector_store_idx %arg6[%add3A_395, %add3A_418], %add3A_421 : memref<16x128xi32, #tpu.memory_space<vmem>>[vector<16xi32>, vector<16xi32>], vector<16xi32>,
      }
      %scan3A_26 = arith.constant 64 : i32
      %dma_start3A = arith.constant 0 : i32
      %dma_start3A_27 = arith.constant 0 : i32
      %dma_start3A_28 = arith.constant 0 : i32
      %dma_start3A_29 = tpu.memref_slice %arg7[%dma_start3A_27, %dma_start3A_28] : memref<2048x16xf32, #tpu.memory_space<vmem>> -> memref<128x16xf32, #tpu.memory_space<vmem>>
      %dma_start3A_30 = arith.constant 0 : i32
      %dma_start3A_31 = tpu.memref_slice %arg6[%dma_start3A, %dma_start3A_30] : memref<16x128xi32, #tpu.memory_space<vmem>> -> memref<1x128xi32, #tpu.memory_space<vmem>>
      %dma_start3A_32 = tpu.memref_squeeze %dma_start3A_31 : memref<1x128xi32, #tpu.memory_space<vmem>> -> memref<128xi32, #tpu.memory_space<vmem>>
      %dma_start3A_33 = arith.constant 0 : i32
      %dma_start3A_34 = arith.constant 0 : i32
      %dma_start3A_35 = tpu.memref_slice %arg3[%dma_start3A_33, %dma_start3A_34] : memref<1250000x16xf32, #tpu.memory_space<hbm>> -> memref<1250000x16xf32, #tpu.memory_space<hbm>>
      tpu.enqueue_indirect_dma source(%dma_start3A_35 : memref<1250000x16xf32, #tpu.memory_space<hbm>>) target(%dma_start3A_29 : memref<128x16xf32, #tpu.memory_space<vmem>>) offsets(%dma_start3A_32 : memref<128xi32, #tpu.memory_space<vmem>>) semaphore(%arg9 : memref<!tpu.dma_semaphore, #tpu.memory_space<semaphore_mem>>)
      %dma_start3A_36 = arith.constant 1 : i32
      %dma_start3A_37 = arith.constant 128 : i32
      %dma_start3A_38 = arith.constant 0 : i32
      %dma_start3A_39 = tpu.memref_slice %arg7[%dma_start3A_37, %dma_start3A_38] : memref<2048x16xf32, #tpu.memory_space<vmem>> -> memref<128x16xf32, #tpu.memory_space<vmem>>
      %dma_start3A_40 = arith.constant 0 : i32
      %dma_start3A_41 = tpu.memref_slice %arg6[%dma_start3A_36, %dma_start3A_40] : memref<16x128xi32, #tpu.memory_space<vmem>> -> memref<1x128xi32, #tpu.memory_space<vmem>>
      %dma_start3A_42 = tpu.memref_squeeze %dma_start3A_41 : memref<1x128xi32, #tpu.memory_space<vmem>> -> memref<128xi32, #tpu.memory_space<vmem>>
      %dma_start3A_43 = arith.constant 0 : i32
      %dma_start3A_44 = arith.constant 0 : i32
      %dma_start3A_45 = tpu.memref_slice %arg3[%dma_start3A_43, %dma_start3A_44] : memref<1250000x16xf32, #tpu.memory_space<hbm>> -> memref<1250000x16xf32, #tpu.memory_space<hbm>>
      tpu.enqueue_indirect_dma source(%dma_start3A_45 : memref<1250000x16xf32, #tpu.memory_space<hbm>>) target(%dma_start3A_39 : memref<128x16xf32, #tpu.memory_space<vmem>>) offsets(%dma_start3A_42 : memref<128xi32, #tpu.memory_space<vmem>>) semaphore(%arg9 : memref<!tpu.dma_semaphore, #tpu.memory_space<semaphore_mem>>)
      %dma_start3A_46 = arith.constant 2 : i32
      %dma_start3A_47 = arith.constant 256 : i32
      %dma_start3A_48 = arith.constant 0 : i32
      %dma_start3A_49 = tpu.memref_slice %arg7[%dma_start3A_47, %dma_start3A_48] : memref<2048x16xf32, #tpu.memory_space<vmem>> -> memref<128x16xf32, #tpu.memory_space<vmem>>
      %dma_start3A_50 = arith.constant 0 : i32
      %dma_start3A_51 = tpu.memref_slice %arg6[%dma_start3A_46, %dma_start3A_50] : memref<16x128xi32, #tpu.memory_space<vmem>> -> memref<1x128xi32, #tpu.memory_space<vmem>>
      %dma_start3A_52 = tpu.memref_squeeze %dma_start3A_51 : memref<1x128xi32, #tpu.memory_space<vmem>> -> memref<128xi32, #tpu.memory_space<vmem>>
      %dma_start3A_53 = arith.constant 0 : i32
      %dma_start3A_54 = arith.constant 0 : i32
      %dma_start3A_55 = tpu.memref_slice %arg3[%dma_start3A_53, %dma_start3A_54] : memref<1250000x16xf32, #tpu.memory_space<hbm>> -> memref<1250000x16xf32, #tpu.memory_space<hbm>>
      tpu.enqueue_indirect_dma source(%dma_start3A_55 : memref<1250000x16xf32, #tpu.memory_space<hbm>>) target(%dma_start3A_49 : memref<128x16xf32, #tpu.memory_space<vmem>>) offsets(%dma_start3A_52 : memref<128xi32, #tpu.memory_space<vmem>>) semaphore(%arg9 : memref<!tpu.dma_semaphore, #tpu.memory_space<semaphore_mem>>)
      %dma_start3A_56 = arith.constant 3 : i32
      %dma_start3A_57 = arith.constant 384 : i32
      %dma_start3A_58 = arith.constant 0 : i32
      %dma_start3A_59 = tpu.memref_slice %arg7[%dma_start3A_57, %dma_start3A_58] : memref<2048x16xf32, #tpu.memory_space<vmem>> -> memref<128x16xf32, #tpu.memory_space<vmem>>
      %dma_start3A_60 = arith.constant 0 : i32
      %dma_start3A_61 = tpu.memref_slice %arg6[%dma_start3A_56, %dma_start3A_60] : memref<16x128xi32, #tpu.memory_space<vmem>> -> memref<1x128xi32, #tpu.memory_space<vmem>>
      %dma_start3A_62 = tpu.memref_squeeze %dma_start3A_61 : memref<1x128xi32, #tpu.memory_space<vmem>> -> memref<128xi32, #tpu.memory_space<vmem>>
      %dma_start3A_63 = arith.constant 0 : i32
      %dma_start3A_64 = arith.constant 0 : i32
      %dma_start3A_65 = tpu.memref_slice %arg3[%dma_start3A_63, %dma_start3A_64] : memref<1250000x16xf32, #tpu.memory_space<hbm>> -> memref<1250000x16xf32, #tpu.memory_space<hbm>>
      tpu.enqueue_indirect_dma source(%dma_start3A_65 : memref<1250000x16xf32, #tpu.memory_space<hbm>>) target(%dma_start3A_59 : memref<128x16xf32, #tpu.memory_space<vmem>>) offsets(%dma_start3A_62 : memref<128xi32, #tpu.memory_space<vmem>>) semaphore(%arg9 : memref<!tpu.dma_semaphore, #tpu.memory_space<semaphore_mem>>)
      %dma_start3A_66 = arith.constant 4 : i32
      %dma_start3A_67 = arith.constant 512 : i32
      %dma_start3A_68 = arith.constant 0 : i32
      %dma_start3A_69 = tpu.memref_slice %arg7[%dma_start3A_67, %dma_start3A_68] : memref<2048x16xf32, #tpu.memory_space<vmem>> -> memref<128x16xf32, #tpu.memory_space<vmem>>
      %dma_start3A_70 = arith.constant 0 : i32
      %dma_start3A_71 = tpu.memref_slice %arg6[%dma_start3A_66, %dma_start3A_70] : memref<16x128xi32, #tpu.memory_space<vmem>> -> memref<1x128xi32, #tpu.memory_space<vmem>>
      %dma_start3A_72 = tpu.memref_squeeze %dma_start3A_71 : memref<1x128xi32, #tpu.memory_space<vmem>> -> memref<128xi32, #tpu.memory_space<vmem>>
      %dma_start3A_73 = arith.constant 0 : i32
      %dma_start3A_74 = arith.constant 0 : i32
      %dma_start3A_75 = tpu.memref_slice %arg3[%dma_start3A_73, %dma_start3A_74] : memref<1250000x16xf32, #tpu.memory_space<hbm>> -> memref<1250000x16xf32, #tpu.memory_space<hbm>>
      tpu.enqueue_indirect_dma source(%dma_start3A_75 : memref<1250000x16xf32, #tpu.memory_space<hbm>>) target(%dma_start3A_69 : memref<128x16xf32, #tpu.memory_space<vmem>>) offsets(%dma_start3A_72 : memref<128xi32, #tpu.memory_space<vmem>>) semaphore(%arg9 : memref<!tpu.dma_semaphore, #tpu.memory_space<semaphore_mem>>)
      %dma_start3A_76 = arith.constant 5 : i32
      %dma_start3A_77 = arith.constant 640 : i32
      %dma_start3A_78 = arith.constant 0 : i32
      %dma_start3A_79 = tpu.memref_slice %arg7[%dma_start3A_77, %dma_start3A_78] : memref<2048x16xf32, #tpu.memory_space<vmem>> -> memref<128x16xf32, #tpu.memory_space<vmem>>
      %dma_start3A_80 = arith.constant 0 : i32
      %dma_start3A_81 = tpu.memref_slice %arg6[%dma_start3A_76, %dma_start3A_80] : memref<16x128xi32, #tpu.memory_space<vmem>> -> memref<1x128xi32, #tpu.memory_space<vmem>>
      %dma_start3A_82 = tpu.memref_squeeze %dma_start3A_81 : memref<1x128xi32, #tpu.memory_space<vmem>> -> memref<128xi32, #tpu.memory_space<vmem>>
      %dma_start3A_83 = arith.constant 0 : i32
      %dma_start3A_84 = arith.constant 0 : i32
      %dma_start3A_85 = tpu.memref_slice %arg3[%dma_start3A_83, %dma_start3A_84] : memref<1250000x16xf32, #tpu.memory_space<hbm>> -> memref<1250000x16xf32, #tpu.memory_space<hbm>>
      tpu.enqueue_indirect_dma source(%dma_start3A_85 : memref<1250000x16xf32, #tpu.memory_space<hbm>>) target(%dma_start3A_79 : memref<128x16xf32, #tpu.memory_space<vmem>>) offsets(%dma_start3A_82 : memref<128xi32, #tpu.memory_space<vmem>>) semaphore(%arg9 : memref<!tpu.dma_semaphore, #tpu.memory_space<semaphore_mem>>)
      %dma_start3A_86 = arith.constant 6 : i32
      %dma_start3A_87 = arith.constant 768 : i32
      %dma_start3A_88 = arith.constant 0 : i32
      %dma_start3A_89 = tpu.memref_slice %arg7[%dma_start3A_87, %dma_start3A_88] : memref<2048x16xf32, #tpu.memory_space<vmem>> -> memref<128x16xf32, #tpu.memory_space<vmem>>
      %dma_start3A_90 = arith.constant 0 : i32
      %dma_start3A_91 = tpu.memref_slice %arg6[%dma_start3A_86, %dma_start3A_90] : memref<16x128xi32, #tpu.memory_space<vmem>> -> memref<1x128xi32, #tpu.memory_space<vmem>>
      %dma_start3A_92 = tpu.memref_squeeze %dma_start3A_91 : memref<1x128xi32, #tpu.memory_space<vmem>> -> memref<128xi32, #tpu.memory_space<vmem>>
      %dma_start3A_93 = arith.constant 0 : i32
      %dma_start3A_94 = arith.constant 0 : i32
      %dma_start3A_95 = tpu.memref_slice %arg3[%dma_start3A_93, %dma_start3A_94] : memref<1250000x16xf32, #tpu.memory_space<hbm>> -> memref<1250000x16xf32, #tpu.memory_space<hbm>>
      tpu.enqueue_indirect_dma source(%dma_start3A_95 : memref<1250000x16xf32, #tpu.memory_space<hbm>>) target(%dma_start3A_89 : memref<128x16xf32, #tpu.memory_space<vmem>>) offsets(%dma_start3A_92 : memref<128xi32, #tpu.memory_space<vmem>>) semaphore(%arg9 : memref<!tpu.dma_semaphore, #tpu.memory_space<semaphore_mem>>)
      %dma_start3A_96 = arith.constant 7 : i32
      %dma_start3A_97 = arith.constant 896 : i32
      %dma_start3A_98 = arith.constant 0 : i32
      %dma_start3A_99 = tpu.memref_slice %arg7[%dma_start3A_97, %dma_start3A_98] : memref<2048x16xf32, #tpu.memory_space<vmem>> -> memref<128x16xf32, #tpu.memory_space<vmem>>
      %dma_start3A_100 = arith.constant 0 : i32
      %dma_start3A_101 = tpu.memref_slice %arg6[%dma_start3A_96, %dma_start3A_100] : memref<16x128xi32, #tpu.memory_space<vmem>> -> memref<1x128xi32, #tpu.memory_space<vmem>>
      %dma_start3A_102 = tpu.memref_squeeze %dma_start3A_101 : memref<1x128xi32, #tpu.memory_space<vmem>> -> memref<128xi32, #tpu.memory_space<vmem>>
      %dma_start3A_103 = arith.constant 0 : i32
      %dma_start3A_104 = arith.constant 0 : i32
      %dma_start3A_105 = tpu.memref_slice %arg3[%dma_start3A_103, %dma_start3A_104] : memref<1250000x16xf32, #tpu.memory_space<hbm>> -> memref<1250000x16xf32, #tpu.memory_space<hbm>>
      tpu.enqueue_indirect_dma source(%dma_start3A_105 : memref<1250000x16xf32, #tpu.memory_space<hbm>>) target(%dma_start3A_99 : memref<128x16xf32, #tpu.memory_space<vmem>>) offsets(%dma_start3A_102 : memref<128xi32, #tpu.memory_space<vmem>>) semaphore(%arg9 : memref<!tpu.dma_semaphore, #tpu.memory_space<semaphore_mem>>)
      %dma_start3A_106 = arith.constant 8 : i32
      %dma_start3A_107 = arith.constant 1024 : i32
      %dma_start3A_108 = arith.constant 0 : i32
      %dma_start3A_109 = tpu.memref_slice %arg7[%dma_start3A_107, %dma_start3A_108] : memref<2048x16xf32, #tpu.memory_space<vmem>> -> memref<128x16xf32, #tpu.memory_space<vmem>>
      %dma_start3A_110 = arith.constant 0 : i32
      %dma_start3A_111 = tpu.memref_slice %arg6[%dma_start3A_106, %dma_start3A_110] : memref<16x128xi32, #tpu.memory_space<vmem>> -> memref<1x128xi32, #tpu.memory_space<vmem>>
      %dma_start3A_112 = tpu.memref_squeeze %dma_start3A_111 : memref<1x128xi32, #tpu.memory_space<vmem>> -> memref<128xi32, #tpu.memory_space<vmem>>
      %dma_start3A_113 = arith.constant 0 : i32
      %dma_start3A_114 = arith.constant 0 : i32
      %dma_start3A_115 = tpu.memref_slice %arg3[%dma_start3A_113, %dma_start3A_114] : memref<1250000x16xf32, #tpu.memory_space<hbm>> -> memref<1250000x16xf32, #tpu.memory_space<hbm>>
      tpu.enqueue_indirect_dma source(%dma_start3A_115 : memref<1250000x16xf32, #tpu.memory_space<hbm>>) target(%dma_start3A_109 : memref<128x16xf32, #tpu.memory_space<vmem>>) offsets(%dma_start3A_112 : memref<128xi32, #tpu.memory_space<vmem>>) semaphore(%arg9 : memref<!tpu.dma_semaphore, #tpu.memory_space<semaphore_mem>>)
      %dma_start3A_116 = arith.constant 9 : i32
      %dma_start3A_117 = arith.constant 1152 : i32
      %dma_start3A_118 = arith.constant 0 : i32
      %dma_start3A_119 = tpu.memref_slice %arg7[%dma_start3A_117, %dma_start3A_118] : memref<2048x16xf32, #tpu.memory_space<vmem>> -> memref<128x16xf32, #tpu.memory_space<vmem>>
      %dma_start3A_120 = arith.constant 0 : i32
      %dma_start3A_121 = tpu.memref_slice %arg6[%dma_start3A_116, %dma_start3A_120] : memref<16x128xi32, #tpu.memory_space<vmem>> -> memref<1x128xi32, #tpu.memory_space<vmem>>
      %dma_start3A_122 = tpu.memref_squeeze %dma_start3A_121 : memref<1x128xi32, #tpu.memory_space<vmem>> -> memref<128xi32, #tpu.memory_space<vmem>>
      %dma_start3A_123 = arith.constant 0 : i32
      %dma_start3A_124 = arith.constant 0 : i32
      %dma_start3A_125 = tpu.memref_slice %arg3[%dma_start3A_123, %dma_start3A_124] : memref<1250000x16xf32, #tpu.memory_space<hbm>> -> memref<1250000x16xf32, #tpu.memory_space<hbm>>
      tpu.enqueue_indirect_dma source(%dma_start3A_125 : memref<1250000x16xf32, #tpu.memory_space<hbm>>) target(%dma_start3A_119 : memref<128x16xf32, #tpu.memory_space<vmem>>) offsets(%dma_start3A_122 : memref<128xi32, #tpu.memory_space<vmem>>) semaphore(%arg9 : memref<!tpu.dma_semaphore, #tpu.memory_space<semaphore_mem>>)
      %dma_start3A_126 = arith.constant 10 : i32
      %dma_start3A_127 = arith.constant 1280 : i32
      %dma_start3A_128 = arith.constant 0 : i32
      %dma_start3A_129 = tpu.memref_slice %arg7[%dma_start3A_127, %dma_start3A_128] : memref<2048x16xf32, #tpu.memory_space<vmem>> -> memref<128x16xf32, #tpu.memory_space<vmem>>
      %dma_start3A_130 = arith.constant 0 : i32
      %dma_start3A_131 = tpu.memref_slice %arg6[%dma_start3A_126, %dma_start3A_130] : memref<16x128xi32, #tpu.memory_space<vmem>> -> memref<1x128xi32, #tpu.memory_space<vmem>>
      %dma_start3A_132 = tpu.memref_squeeze %dma_start3A_131 : memref<1x128xi32, #tpu.memory_space<vmem>> -> memref<128xi32, #tpu.memory_space<vmem>>
      %dma_start3A_133 = arith.constant 0 : i32
      %dma_start3A_134 = arith.constant 0 : i32
      %dma_start3A_135 = tpu.memref_slice %arg3[%dma_start3A_133, %dma_start3A_134] : memref<1250000x16xf32, #tpu.memory_space<hbm>> -> memref<1250000x16xf32, #tpu.memory_space<hbm>>
      tpu.enqueue_indirect_dma source(%dma_start3A_135 : memref<1250000x16xf32, #tpu.memory_space<hbm>>) target(%dma_start3A_129 : memref<128x16xf32, #tpu.memory_space<vmem>>) offsets(%dma_start3A_132 : memref<128xi32, #tpu.memory_space<vmem>>) semaphore(%arg9 : memref<!tpu.dma_semaphore, #tpu.memory_space<semaphore_mem>>)
      %dma_start3A_136 = arith.constant 11 : i32
      %dma_start3A_137 = arith.constant 1408 : i32
      %dma_start3A_138 = arith.constant 0 : i32
      %dma_start3A_139 = tpu.memref_slice %arg7[%dma_start3A_137, %dma_start3A_138] : memref<2048x16xf32, #tpu.memory_space<vmem>> -> memref<128x16xf32, #tpu.memory_space<vmem>>
      %dma_start3A_140 = arith.constant 0 : i32
      %dma_start3A_141 = tpu.memref_slice %arg6[%dma_start3A_136, %dma_start3A_140] : memref<16x128xi32, #tpu.memory_space<vmem>> -> memref<1x128xi32, #tpu.memory_space<vmem>>
      %dma_start3A_142 = tpu.memref_squeeze %dma_start3A_141 : memref<1x128xi32, #tpu.memory_space<vmem>> -> memref<128xi32, #tpu.memory_space<vmem>>
      %dma_start3A_143 = arith.constant 0 : i32
      %dma_start3A_144 = arith.constant 0 : i32
      %dma_start3A_145 = tpu.memref_slice %arg3[%dma_start3A_143, %dma_start3A_144] : memref<1250000x16xf32, #tpu.memory_space<hbm>> -> memref<1250000x16xf32, #tpu.memory_space<hbm>>
      tpu.enqueue_indirect_dma source(%dma_start3A_145 : memref<1250000x16xf32, #tpu.memory_space<hbm>>) target(%dma_start3A_139 : memref<128x16xf32, #tpu.memory_space<vmem>>) offsets(%dma_start3A_142 : memref<128xi32, #tpu.memory_space<vmem>>) semaphore(%arg9 : memref<!tpu.dma_semaphore, #tpu.memory_space<semaphore_mem>>)
      %dma_start3A_146 = arith.constant 12 : i32
      %dma_start3A_147 = arith.constant 1536 : i32
      %dma_start3A_148 = arith.constant 0 : i32
      %dma_start3A_149 = tpu.memref_slice %arg7[%dma_start3A_147, %dma_start3A_148] : memref<2048x16xf32, #tpu.memory_space<vmem>> -> memref<128x16xf32, #tpu.memory_space<vmem>>
      %dma_start3A_150 = arith.constant 0 : i32
      %dma_start3A_151 = tpu.memref_slice %arg6[%dma_start3A_146, %dma_start3A_150] : memref<16x128xi32, #tpu.memory_space<vmem>> -> memref<1x128xi32, #tpu.memory_space<vmem>>
      %dma_start3A_152 = tpu.memref_squeeze %dma_start3A_151 : memref<1x128xi32, #tpu.memory_space<vmem>> -> memref<128xi32, #tpu.memory_space<vmem>>
      %dma_start3A_153 = arith.constant 0 : i32
      %dma_start3A_154 = arith.constant 0 : i32
      %dma_start3A_155 = tpu.memref_slice %arg3[%dma_start3A_153, %dma_start3A_154] : memref<1250000x16xf32, #tpu.memory_space<hbm>> -> memref<1250000x16xf32, #tpu.memory_space<hbm>>
      tpu.enqueue_indirect_dma source(%dma_start3A_155 : memref<1250000x16xf32, #tpu.memory_space<hbm>>) target(%dma_start3A_149 : memref<128x16xf32, #tpu.memory_space<vmem>>) offsets(%dma_start3A_152 : memref<128xi32, #tpu.memory_space<vmem>>) semaphore(%arg9 : memref<!tpu.dma_semaphore, #tpu.memory_space<semaphore_mem>>)
      %dma_start3A_156 = arith.constant 13 : i32
      %dma_start3A_157 = arith.constant 1664 : i32
      %dma_start3A_158 = arith.constant 0 : i32
      %dma_start3A_159 = tpu.memref_slice %arg7[%dma_start3A_157, %dma_start3A_158] : memref<2048x16xf32, #tpu.memory_space<vmem>> -> memref<128x16xf32, #tpu.memory_space<vmem>>
      %dma_start3A_160 = arith.constant 0 : i32
      %dma_start3A_161 = tpu.memref_slice %arg6[%dma_start3A_156, %dma_start3A_160] : memref<16x128xi32, #tpu.memory_space<vmem>> -> memref<1x128xi32, #tpu.memory_space<vmem>>
      %dma_start3A_162 = tpu.memref_squeeze %dma_start3A_161 : memref<1x128xi32, #tpu.memory_space<vmem>> -> memref<128xi32, #tpu.memory_space<vmem>>
      %dma_start3A_163 = arith.constant 0 : i32
      %dma_start3A_164 = arith.constant 0 : i32
      %dma_start3A_165 = tpu.memref_slice %arg3[%dma_start3A_163, %dma_start3A_164] : memref<1250000x16xf32, #tpu.memory_space<hbm>> -> memref<1250000x16xf32, #tpu.memory_space<hbm>>
      tpu.enqueue_indirect_dma source(%dma_start3A_165 : memref<1250000x16xf32, #tpu.memory_space<hbm>>) target(%dma_start3A_159 : memref<128x16xf32, #tpu.memory_space<vmem>>) offsets(%dma_start3A_162 : memref<128xi32, #tpu.memory_space<vmem>>) semaphore(%arg9 : memref<!tpu.dma_semaphore, #tpu.memory_space<semaphore_mem>>)
      %dma_start3A_166 = arith.constant 14 : i32
      %dma_start3A_167 = arith.constant 1792 : i32
      %dma_start3A_168 = arith.constant 0 : i32
      %dma_start3A_169 = tpu.memref_slice %arg7[%dma_start3A_167, %dma_start3A_168] : memref<2048x16xf32, #tpu.memory_space<vmem>> -> memref<128x16xf32, #tpu.memory_space<vmem>>
      %dma_start3A_170 = arith.constant 0 : i32
      %dma_start3A_171 = tpu.memref_slice %arg6[%dma_start3A_166, %dma_start3A_170] : memref<16x128xi32, #tpu.memory_space<vmem>> -> memref<1x128xi32, #tpu.memory_space<vmem>>
      %dma_start3A_172 = tpu.memref_squeeze %dma_start3A_171 : memref<1x128xi32, #tpu.memory_space<vmem>> -> memref<128xi32, #tpu.memory_space<vmem>>
      %dma_start3A_173 = arith.constant 0 : i32
      %dma_start3A_174 = arith.constant 0 : i32
      %dma_start3A_175 = tpu.memref_slice %arg3[%dma_start3A_173, %dma_start3A_174] : memref<1250000x16xf32, #tpu.memory_space<hbm>> -> memref<1250000x16xf32, #tpu.memory_space<hbm>>
      tpu.enqueue_indirect_dma source(%dma_start3A_175 : memref<1250000x16xf32, #tpu.memory_space<hbm>>) target(%dma_start3A_169 : memref<128x16xf32, #tpu.memory_space<vmem>>) offsets(%dma_start3A_172 : memref<128xi32, #tpu.memory_space<vmem>>) semaphore(%arg9 : memref<!tpu.dma_semaphore, #tpu.memory_space<semaphore_mem>>)
      %dma_start3A_176 = arith.constant 15 : i32
      %dma_start3A_177 = arith.constant 1920 : i32
      %dma_start3A_178 = arith.constant 0 : i32
      %dma_start3A_179 = tpu.memref_slice %arg7[%dma_start3A_177, %dma_start3A_178] : memref<2048x16xf32, #tpu.memory_space<vmem>> -> memref<128x16xf32, #tpu.memory_space<vmem>>
      %dma_start3A_180 = arith.constant 0 : i32
      %dma_start3A_181 = tpu.memref_slice %arg6[%dma_start3A_176, %dma_start3A_180] : memref<16x128xi32, #tpu.memory_space<vmem>> -> memref<1x128xi32, #tpu.memory_space<vmem>>
      %dma_start3A_182 = tpu.memref_squeeze %dma_start3A_181 : memref<1x128xi32, #tpu.memory_space<vmem>> -> memref<128xi32, #tpu.memory_space<vmem>>
      %dma_start3A_183 = arith.constant 0 : i32
      %dma_start3A_184 = arith.constant 0 : i32
      %dma_start3A_185 = tpu.memref_slice %arg3[%dma_start3A_183, %dma_start3A_184] : memref<1250000x16xf32, #tpu.memory_space<hbm>> -> memref<1250000x16xf32, #tpu.memory_space<hbm>>
      tpu.enqueue_indirect_dma source(%dma_start3A_185 : memref<1250000x16xf32, #tpu.memory_space<hbm>>) target(%dma_start3A_179 : memref<128x16xf32, #tpu.memory_space<vmem>>) offsets(%dma_start3A_182 : memref<128xi32, #tpu.memory_space<vmem>>) semaphore(%arg9 : memref<!tpu.dma_semaphore, #tpu.memory_space<semaphore_mem>>)
      %dma_wait3A = arith.constant 0 : i32
      %dma_wait3A_186 = arith.constant 0 : i32
      %dma_wait3A_187 = arith.constant 0 : i32
      %dma_wait3A_188 = tpu.memref_slice %arg7[%dma_wait3A_186, %dma_wait3A_187] : memref<2048x16xf32, #tpu.memory_space<vmem>> -> memref<128x16xf32, #tpu.memory_space<vmem>>
      %dma_wait3A_189 = arith.constant 0 : i32
      %dma_wait3A_190 = tpu.memref_slice %arg6[%dma_wait3A, %dma_wait3A_189] : memref<16x128xi32, #tpu.memory_space<vmem>> -> memref<1x128xi32, #tpu.memory_space<vmem>>
      %dma_wait3A_191 = tpu.memref_squeeze %dma_wait3A_190 : memref<1x128xi32, #tpu.memory_space<vmem>> -> memref<128xi32, #tpu.memory_space<vmem>>
      %dma_wait3A_192 = arith.constant 0 : i32
      %dma_wait3A_193 = arith.constant 0 : i32
      %dma_wait3A_194 = tpu.memref_slice %arg3[%dma_wait3A_192, %dma_wait3A_193] : memref<1250000x16xf32, #tpu.memory_space<hbm>> -> memref<1250000x16xf32, #tpu.memory_space<hbm>>
      tpu.wait_indirect_dma semaphore(%arg9 : memref<!tpu.dma_semaphore, #tpu.memory_space<semaphore_mem>>) src(%dma_wait3A_194 : memref<1250000x16xf32, #tpu.memory_space<hbm>>) dst(%dma_wait3A_188 : memref<128x16xf32, #tpu.memory_space<vmem>>)
      %dma_wait3A_195 = arith.constant 1 : i32
      %dma_wait3A_196 = arith.constant 128 : i32
      %dma_wait3A_197 = arith.constant 0 : i32
      %dma_wait3A_198 = tpu.memref_slice %arg7[%dma_wait3A_196, %dma_wait3A_197] : memref<2048x16xf32, #tpu.memory_space<vmem>> -> memref<128x16xf32, #tpu.memory_space<vmem>>
      %dma_wait3A_199 = arith.constant 0 : i32
      %dma_wait3A_200 = tpu.memref_slice %arg6[%dma_wait3A_195, %dma_wait3A_199] : memref<16x128xi32, #tpu.memory_space<vmem>> -> memref<1x128xi32, #tpu.memory_space<vmem>>
      %dma_wait3A_201 = tpu.memref_squeeze %dma_wait3A_200 : memref<1x128xi32, #tpu.memory_space<vmem>> -> memref<128xi32, #tpu.memory_space<vmem>>
      %dma_wait3A_202 = arith.constant 0 : i32
      %dma_wait3A_203 = arith.constant 0 : i32
      %dma_wait3A_204 = tpu.memref_slice %arg3[%dma_wait3A_202, %dma_wait3A_203] : memref<1250000x16xf32, #tpu.memory_space<hbm>> -> memref<1250000x16xf32, #tpu.memory_space<hbm>>
      tpu.wait_indirect_dma semaphore(%arg9 : memref<!tpu.dma_semaphore, #tpu.memory_space<semaphore_mem>>) src(%dma_wait3A_204 : memref<1250000x16xf32, #tpu.memory_space<hbm>>) dst(%dma_wait3A_198 : memref<128x16xf32, #tpu.memory_space<vmem>>)
      %dma_wait3A_205 = arith.constant 2 : i32
      %dma_wait3A_206 = arith.constant 256 : i32
      %dma_wait3A_207 = arith.constant 0 : i32
      %dma_wait3A_208 = tpu.memref_slice %arg7[%dma_wait3A_206, %dma_wait3A_207] : memref<2048x16xf32, #tpu.memory_space<vmem>> -> memref<128x16xf32, #tpu.memory_space<vmem>>
      %dma_wait3A_209 = arith.constant 0 : i32
      %dma_wait3A_210 = tpu.memref_slice %arg6[%dma_wait3A_205, %dma_wait3A_209] : memref<16x128xi32, #tpu.memory_space<vmem>> -> memref<1x128xi32, #tpu.memory_space<vmem>>
      %dma_wait3A_211 = tpu.memref_squeeze %dma_wait3A_210 : memref<1x128xi32, #tpu.memory_space<vmem>> -> memref<128xi32, #tpu.memory_space<vmem>>
      %dma_wait3A_212 = arith.constant 0 : i32
      %dma_wait3A_213 = arith.constant 0 : i32
      %dma_wait3A_214 = tpu.memref_slice %arg3[%dma_wait3A_212, %dma_wait3A_213] : memref<1250000x16xf32, #tpu.memory_space<hbm>> -> memref<1250000x16xf32, #tpu.memory_space<hbm>>
      tpu.wait_indirect_dma semaphore(%arg9 : memref<!tpu.dma_semaphore, #tpu.memory_space<semaphore_mem>>) src(%dma_wait3A_214 : memref<1250000x16xf32, #tpu.memory_space<hbm>>) dst(%dma_wait3A_208 : memref<128x16xf32, #tpu.memory_space<vmem>>)
      %dma_wait3A_215 = arith.constant 3 : i32
      %dma_wait3A_216 = arith.constant 384 : i32
      %dma_wait3A_217 = arith.constant 0 : i32
      %dma_wait3A_218 = tpu.memref_slice %arg7[%dma_wait3A_216, %dma_wait3A_217] : memref<2048x16xf32, #tpu.memory_space<vmem>> -> memref<128x16xf32, #tpu.memory_space<vmem>>
      %dma_wait3A_219 = arith.constant 0 : i32
      %dma_wait3A_220 = tpu.memref_slice %arg6[%dma_wait3A_215, %dma_wait3A_219] : memref<16x128xi32, #tpu.memory_space<vmem>> -> memref<1x128xi32, #tpu.memory_space<vmem>>
      %dma_wait3A_221 = tpu.memref_squeeze %dma_wait3A_220 : memref<1x128xi32, #tpu.memory_space<vmem>> -> memref<128xi32, #tpu.memory_space<vmem>>
      %dma_wait3A_222 = arith.constant 0 : i32
      %dma_wait3A_223 = arith.constant 0 : i32
      %dma_wait3A_224 = tpu.memref_slice %arg3[%dma_wait3A_222, %dma_wait3A_223] : memref<1250000x16xf32, #tpu.memory_space<hbm>> -> memref<1250000x16xf32, #tpu.memory_space<hbm>>
      tpu.wait_indirect_dma semaphore(%arg9 : memref<!tpu.dma_semaphore, #tpu.memory_space<semaphore_mem>>) src(%dma_wait3A_224 : memref<1250000x16xf32, #tpu.memory_space<hbm>>) dst(%dma_wait3A_218 : memref<128x16xf32, #tpu.memory_space<vmem>>)
      %dma_wait3A_225 = arith.constant 4 : i32
      %dma_wait3A_226 = arith.constant 512 : i32
      %dma_wait3A_227 = arith.constant 0 : i32
      %dma_wait3A_228 = tpu.memref_slice %arg7[%dma_wait3A_226, %dma_wait3A_227] : memref<2048x16xf32, #tpu.memory_space<vmem>> -> memref<128x16xf32, #tpu.memory_space<vmem>>
      %dma_wait3A_229 = arith.constant 0 : i32
      %dma_wait3A_230 = tpu.memref_slice %arg6[%dma_wait3A_225, %dma_wait3A_229] : memref<16x128xi32, #tpu.memory_space<vmem>> -> memref<1x128xi32, #tpu.memory_space<vmem>>
      %dma_wait3A_231 = tpu.memref_squeeze %dma_wait3A_230 : memref<1x128xi32, #tpu.memory_space<vmem>> -> memref<128xi32, #tpu.memory_space<vmem>>
      %dma_wait3A_232 = arith.constant 0 : i32
      %dma_wait3A_233 = arith.constant 0 : i32
      %dma_wait3A_234 = tpu.memref_slice %arg3[%dma_wait3A_232, %dma_wait3A_233] : memref<1250000x16xf32, #tpu.memory_space<hbm>> -> memref<1250000x16xf32, #tpu.memory_space<hbm>>
      tpu.wait_indirect_dma semaphore(%arg9 : memref<!tpu.dma_semaphore, #tpu.memory_space<semaphore_mem>>) src(%dma_wait3A_234 : memref<1250000x16xf32, #tpu.memory_space<hbm>>) dst(%dma_wait3A_228 : memref<128x16xf32, #tpu.memory_space<vmem>>)
      %dma_wait3A_235 = arith.constant 5 : i32
      %dma_wait3A_236 = arith.constant 640 : i32
      %dma_wait3A_237 = arith.constant 0 : i32
      %dma_wait3A_238 = tpu.memref_slice %arg7[%dma_wait3A_236, %dma_wait3A_237] : memref<2048x16xf32, #tpu.memory_space<vmem>> -> memref<128x16xf32, #tpu.memory_space<vmem>>
      %dma_wait3A_239 = arith.constant 0 : i32
      %dma_wait3A_240 = tpu.memref_slice %arg6[%dma_wait3A_235, %dma_wait3A_239] : memref<16x128xi32, #tpu.memory_space<vmem>> -> memref<1x128xi32, #tpu.memory_space<vmem>>
      %dma_wait3A_241 = tpu.memref_squeeze %dma_wait3A_240 : memref<1x128xi32, #tpu.memory_space<vmem>> -> memref<128xi32, #tpu.memory_space<vmem>>
      %dma_wait3A_242 = arith.constant 0 : i32
      %dma_wait3A_243 = arith.constant 0 : i32
      %dma_wait3A_244 = tpu.memref_slice %arg3[%dma_wait3A_242, %dma_wait3A_243] : memref<1250000x16xf32, #tpu.memory_space<hbm>> -> memref<1250000x16xf32, #tpu.memory_space<hbm>>
      tpu.wait_indirect_dma semaphore(%arg9 : memref<!tpu.dma_semaphore, #tpu.memory_space<semaphore_mem>>) src(%dma_wait3A_244 : memref<1250000x16xf32, #tpu.memory_space<hbm>>) dst(%dma_wait3A_238 : memref<128x16xf32, #tpu.memory_space<vmem>>)
      %dma_wait3A_245 = arith.constant 6 : i32
      %dma_wait3A_246 = arith.constant 768 : i32
      %dma_wait3A_247 = arith.constant 0 : i32
      %dma_wait3A_248 = tpu.memref_slice %arg7[%dma_wait3A_246, %dma_wait3A_247] : memref<2048x16xf32, #tpu.memory_space<vmem>> -> memref<128x16xf32, #tpu.memory_space<vmem>>
      %dma_wait3A_249 = arith.constant 0 : i32
      %dma_wait3A_250 = tpu.memref_slice %arg6[%dma_wait3A_245, %dma_wait3A_249] : memref<16x128xi32, #tpu.memory_space<vmem>> -> memref<1x128xi32, #tpu.memory_space<vmem>>
      %dma_wait3A_251 = tpu.memref_squeeze %dma_wait3A_250 : memref<1x128xi32, #tpu.memory_space<vmem>> -> memref<128xi32, #tpu.memory_space<vmem>>
      %dma_wait3A_252 = arith.constant 0 : i32
      %dma_wait3A_253 = arith.constant 0 : i32
      %dma_wait3A_254 = tpu.memref_slice %arg3[%dma_wait3A_252, %dma_wait3A_253] : memref<1250000x16xf32, #tpu.memory_space<hbm>> -> memref<1250000x16xf32, #tpu.memory_space<hbm>>
      tpu.wait_indirect_dma semaphore(%arg9 : memref<!tpu.dma_semaphore, #tpu.memory_space<semaphore_mem>>) src(%dma_wait3A_254 : memref<1250000x16xf32, #tpu.memory_space<hbm>>) dst(%dma_wait3A_248 : memref<128x16xf32, #tpu.memory_space<vmem>>)
      %dma_wait3A_255 = arith.constant 7 : i32
      %dma_wait3A_256 = arith.constant 896 : i32
      %dma_wait3A_257 = arith.constant 0 : i32
      %dma_wait3A_258 = tpu.memref_slice %arg7[%dma_wait3A_256, %dma_wait3A_257] : memref<2048x16xf32, #tpu.memory_space<vmem>> -> memref<128x16xf32, #tpu.memory_space<vmem>>
      %dma_wait3A_259 = arith.constant 0 : i32
      %dma_wait3A_260 = tpu.memref_slice %arg6[%dma_wait3A_255, %dma_wait3A_259] : memref<16x128xi32, #tpu.memory_space<vmem>> -> memref<1x128xi32, #tpu.memory_space<vmem>>
      %dma_wait3A_261 = tpu.memref_squeeze %dma_wait3A_260 : memref<1x128xi32, #tpu.memory_space<vmem>> -> memref<128xi32, #tpu.memory_space<vmem>>
      %dma_wait3A_262 = arith.constant 0 : i32
      %dma_wait3A_263 = arith.constant 0 : i32
      %dma_wait3A_264 = tpu.memref_slice %arg3[%dma_wait3A_262, %dma_wait3A_263] : memref<1250000x16xf32, #tpu.memory_space<hbm>> -> memref<1250000x16xf32, #tpu.memory_space<hbm>>
      tpu.wait_indirect_dma semaphore(%arg9 : memref<!tpu.dma_semaphore, #tpu.memory_space<semaphore_mem>>) src(%dma_wait3A_264 : memref<1250000x16xf32, #tpu.memory_space<hbm>>) dst(%dma_wait3A_258 : memref<128x16xf32, #tpu.memory_space<vmem>>)
      %dma_wait3A_265 = arith.constant 8 : i32
      %dma_wait3A_266 = arith.constant 1024 : i32
      %dma_wait3A_267 = arith.constant 0 : i32
      %dma_wait3A_268 = tpu.memref_slice %arg7[%dma_wait3A_266, %dma_wait3A_267] : memref<2048x16xf32, #tpu.memory_space<vmem>> -> memref<128x16xf32, #tpu.memory_space<vmem>>
      %dma_wait3A_269 = arith.constant 0 : i32
      %dma_wait3A_270 = tpu.memref_slice %arg6[%dma_wait3A_265, %dma_wait3A_269] : memref<16x128xi32, #tpu.memory_space<vmem>> -> memref<1x128xi32, #tpu.memory_space<vmem>>
      %dma_wait3A_271 = tpu.memref_squeeze %dma_wait3A_270 : memref<1x128xi32, #tpu.memory_space<vmem>> -> memref<128xi32, #tpu.memory_space<vmem>>
      %dma_wait3A_272 = arith.constant 0 : i32
      %dma_wait3A_273 = arith.constant 0 : i32
      %dma_wait3A_274 = tpu.memref_slice %arg3[%dma_wait3A_272, %dma_wait3A_273] : memref<1250000x16xf32, #tpu.memory_space<hbm>> -> memref<1250000x16xf32, #tpu.memory_space<hbm>>
      tpu.wait_indirect_dma semaphore(%arg9 : memref<!tpu.dma_semaphore, #tpu.memory_space<semaphore_mem>>) src(%dma_wait3A_274 : memref<1250000x16xf32, #tpu.memory_space<hbm>>) dst(%dma_wait3A_268 : memref<128x16xf32, #tpu.memory_space<vmem>>)
      %dma_wait3A_275 = arith.constant 9 : i32
      %dma_wait3A_276 = arith.constant 1152 : i32
      %dma_wait3A_277 = arith.constant 0 : i32
      %dma_wait3A_278 = tpu.memref_slice %arg7[%dma_wait3A_276, %dma_wait3A_277] : memref<2048x16xf32, #tpu.memory_space<vmem>> -> memref<128x16xf32, #tpu.memory_space<vmem>>
      %dma_wait3A_279 = arith.constant 0 : i32
      %dma_wait3A_280 = tpu.memref_slice %arg6[%dma_wait3A_275, %dma_wait3A_279] : memref<16x128xi32, #tpu.memory_space<vmem>> -> memref<1x128xi32, #tpu.memory_space<vmem>>
      %dma_wait3A_281 = tpu.memref_squeeze %dma_wait3A_280 : memref<1x128xi32, #tpu.memory_space<vmem>> -> memref<128xi32, #tpu.memory_space<vmem>>
      %dma_wait3A_282 = arith.constant 0 : i32
      %dma_wait3A_283 = arith.constant 0 : i32
      %dma_wait3A_284 = tpu.memref_slice %arg3[%dma_wait3A_282, %dma_wait3A_283] : memref<1250000x16xf32, #tpu.memory_space<hbm>> -> memref<1250000x16xf32, #tpu.memory_space<hbm>>
      tpu.wait_indirect_dma semaphore(%arg9 : memref<!tpu.dma_semaphore, #tpu.memory_space<semaphore_mem>>) src(%dma_wait3A_284 : memref<1250000x16xf32, #tpu.memory_space<hbm>>) dst(%dma_wait3A_278 : memref<128x16xf32, #tpu.memory_space<vmem>>)
      %dma_wait3A_285 = arith.constant 10 : i32
      %dma_wait3A_286 = arith.constant 1280 : i32
      %dma_wait3A_287 = arith.constant 0 : i32
      %dma_wait3A_288 = tpu.memref_slice %arg7[%dma_wait3A_286, %dma_wait3A_287] : memref<2048x16xf32, #tpu.memory_space<vmem>> -> memref<128x16xf32, #tpu.memory_space<vmem>>
      %dma_wait3A_289 = arith.constant 0 : i32
      %dma_wait3A_290 = tpu.memref_slice %arg6[%dma_wait3A_285, %dma_wait3A_289] : memref<16x128xi32, #tpu.memory_space<vmem>> -> memref<1x128xi32, #tpu.memory_space<vmem>>
      %dma_wait3A_291 = tpu.memref_squeeze %dma_wait3A_290 : memref<1x128xi32, #tpu.memory_space<vmem>> -> memref<128xi32, #tpu.memory_space<vmem>>
      %dma_wait3A_292 = arith.constant 0 : i32
      %dma_wait3A_293 = arith.constant 0 : i32
      %dma_wait3A_294 = tpu.memref_slice %arg3[%dma_wait3A_292, %dma_wait3A_293] : memref<1250000x16xf32, #tpu.memory_space<hbm>> -> memref<1250000x16xf32, #tpu.memory_space<hbm>>
      tpu.wait_indirect_dma semaphore(%arg9 : memref<!tpu.dma_semaphore, #tpu.memory_space<semaphore_mem>>) src(%dma_wait3A_294 : memref<1250000x16xf32, #tpu.memory_space<hbm>>) dst(%dma_wait3A_288 : memref<128x16xf32, #tpu.memory_space<vmem>>)
      %dma_wait3A_295 = arith.constant 11 : i32
      %dma_wait3A_296 = arith.constant 1408 : i32
      %dma_wait3A_297 = arith.constant 0 : i32
      %dma_wait3A_298 = tpu.memref_slice %arg7[%dma_wait3A_296, %dma_wait3A_297] : memref<2048x16xf32, #tpu.memory_space<vmem>> -> memref<128x16xf32, #tpu.memory_space<vmem>>
      %dma_wait3A_299 = arith.constant 0 : i32
      %dma_wait3A_300 = tpu.memref_slice %arg6[%dma_wait3A_295, %dma_wait3A_299] : memref<16x128xi32, #tpu.memory_space<vmem>> -> memref<1x128xi32, #tpu.memory_space<vmem>>
      %dma_wait3A_301 = tpu.memref_squeeze %dma_wait3A_300 : memref<1x128xi32, #tpu.memory_space<vmem>> -> memref<128xi32, #tpu.memory_space<vmem>>
      %dma_wait3A_302 = arith.constant 0 : i32
      %dma_wait3A_303 = arith.constant 0 : i32
      %dma_wait3A_304 = tpu.memref_slice %arg3[%dma_wait3A_302, %dma_wait3A_303] : memref<1250000x16xf32, #tpu.memory_space<hbm>> -> memref<1250000x16xf32, #tpu.memory_space<hbm>>
      tpu.wait_indirect_dma semaphore(%arg9 : memref<!tpu.dma_semaphore, #tpu.memory_space<semaphore_mem>>) src(%dma_wait3A_304 : memref<1250000x16xf32, #tpu.memory_space<hbm>>) dst(%dma_wait3A_298 : memref<128x16xf32, #tpu.memory_space<vmem>>)
      %dma_wait3A_305 = arith.constant 12 : i32
      %dma_wait3A_306 = arith.constant 1536 : i32
      %dma_wait3A_307 = arith.constant 0 : i32
      %dma_wait3A_308 = tpu.memref_slice %arg7[%dma_wait3A_306, %dma_wait3A_307] : memref<2048x16xf32, #tpu.memory_space<vmem>> -> memref<128x16xf32, #tpu.memory_space<vmem>>
      %dma_wait3A_309 = arith.constant 0 : i32
      %dma_wait3A_310 = tpu.memref_slice %arg6[%dma_wait3A_305, %dma_wait3A_309] : memref<16x128xi32, #tpu.memory_space<vmem>> -> memref<1x128xi32, #tpu.memory_space<vmem>>
      %dma_wait3A_311 = tpu.memref_squeeze %dma_wait3A_310 : memref<1x128xi32, #tpu.memory_space<vmem>> -> memref<128xi32, #tpu.memory_space<vmem>>
      %dma_wait3A_312 = arith.constant 0 : i32
      %dma_wait3A_313 = arith.constant 0 : i32
      %dma_wait3A_314 = tpu.memref_slice %arg3[%dma_wait3A_312, %dma_wait3A_313] : memref<1250000x16xf32, #tpu.memory_space<hbm>> -> memref<1250000x16xf32, #tpu.memory_space<hbm>>
      tpu.wait_indirect_dma semaphore(%arg9 : memref<!tpu.dma_semaphore, #tpu.memory_space<semaphore_mem>>) src(%dma_wait3A_314 : memref<1250000x16xf32, #tpu.memory_space<hbm>>) dst(%dma_wait3A_308 : memref<128x16xf32, #tpu.memory_space<vmem>>)
      %dma_wait3A_315 = arith.constant 13 : i32
      %dma_wait3A_316 = arith.constant 1664 : i32
      %dma_wait3A_317 = arith.constant 0 : i32
      %dma_wait3A_318 = tpu.memref_slice %arg7[%dma_wait3A_316, %dma_wait3A_317] : memref<2048x16xf32, #tpu.memory_space<vmem>> -> memref<128x16xf32, #tpu.memory_space<vmem>>
      %dma_wait3A_319 = arith.constant 0 : i32
      %dma_wait3A_320 = tpu.memref_slice %arg6[%dma_wait3A_315, %dma_wait3A_319] : memref<16x128xi32, #tpu.memory_space<vmem>> -> memref<1x128xi32, #tpu.memory_space<vmem>>
      %dma_wait3A_321 = tpu.memref_squeeze %dma_wait3A_320 : memref<1x128xi32, #tpu.memory_space<vmem>> -> memref<128xi32, #tpu.memory_space<vmem>>
      %dma_wait3A_322 = arith.constant 0 : i32
      %dma_wait3A_323 = arith.constant 0 : i32
      %dma_wait3A_324 = tpu.memref_slice %arg3[%dma_wait3A_322, %dma_wait3A_323] : memref<1250000x16xf32, #tpu.memory_space<hbm>> -> memref<1250000x16xf32, #tpu.memory_space<hbm>>
      tpu.wait_indirect_dma semaphore(%arg9 : memref<!tpu.dma_semaphore, #tpu.memory_space<semaphore_mem>>) src(%dma_wait3A_324 : memref<1250000x16xf32, #tpu.memory_space<hbm>>) dst(%dma_wait3A_318 : memref<128x16xf32, #tpu.memory_space<vmem>>)
      %dma_wait3A_325 = arith.constant 14 : i32
      %dma_wait3A_326 = arith.constant 1792 : i32
      %dma_wait3A_327 = arith.constant 0 : i32
      %dma_wait3A_328 = tpu.memref_slice %arg7[%dma_wait3A_326, %dma_wait3A_327] : memref<2048x16xf32, #tpu.memory_space<vmem>> -> memref<128x16xf32, #tpu.memory_space<vmem>>
      %dma_wait3A_329 = arith.constant 0 : i32
      %dma_wait3A_330 = tpu.memref_slice %arg6[%dma_wait3A_325, %dma_wait3A_329] : memref<16x128xi32, #tpu.memory_space<vmem>> -> memref<1x128xi32, #tpu.memory_space<vmem>>
      %dma_wait3A_331 = tpu.memref_squeeze %dma_wait3A_330 : memref<1x128xi32, #tpu.memory_space<vmem>> -> memref<128xi32, #tpu.memory_space<vmem>>
      %dma_wait3A_332 = arith.constant 0 : i32
      %dma_wait3A_333 = arith.constant 0 : i32
      %dma_wait3A_334 = tpu.memref_slice %arg3[%dma_wait3A_332, %dma_wait3A_333] : memref<1250000x16xf32, #tpu.memory_space<hbm>> -> memref<1250000x16xf32, #tpu.memory_space<hbm>>
      tpu.wait_indirect_dma semaphore(%arg9 : memref<!tpu.dma_semaphore, #tpu.memory_space<semaphore_mem>>) src(%dma_wait3A_334 : memref<1250000x16xf32, #tpu.memory_space<hbm>>) dst(%dma_wait3A_328 : memref<128x16xf32, #tpu.memory_space<vmem>>)
      %dma_wait3A_335 = arith.constant 15 : i32
      %dma_wait3A_336 = arith.constant 1920 : i32
      %dma_wait3A_337 = arith.constant 0 : i32
      %dma_wait3A_338 = tpu.memref_slice %arg7[%dma_wait3A_336, %dma_wait3A_337] : memref<2048x16xf32, #tpu.memory_space<vmem>> -> memref<128x16xf32, #tpu.memory_space<vmem>>
      %dma_wait3A_339 = arith.constant 0 : i32
      %dma_wait3A_340 = tpu.memref_slice %arg6[%dma_wait3A_335, %dma_wait3A_339] : memref<16x128xi32, #tpu.memory_space<vmem>> -> memref<1x128xi32, #tpu.memory_space<vmem>>
      %dma_wait3A_341 = tpu.memref_squeeze %dma_wait3A_340 : memref<1x128xi32, #tpu.memory_space<vmem>> -> memref<128xi32, #tpu.memory_space<vmem>>
      %dma_wait3A_342 = arith.constant 0 : i32
      %dma_wait3A_343 = arith.constant 0 : i32
      %dma_wait3A_344 = tpu.memref_slice %arg3[%dma_wait3A_342, %dma_wait3A_343] : memref<1250000x16xf32, #tpu.memory_space<hbm>> -> memref<1250000x16xf32, #tpu.memory_space<hbm>>
      tpu.wait_indirect_dma semaphore(%arg9 : memref<!tpu.dma_semaphore, #tpu.memory_space<semaphore_mem>>) src(%dma_wait3A_344 : memref<1250000x16xf32, #tpu.memory_space<hbm>>) dst(%dma_wait3A_338 : memref<128x16xf32, #tpu.memory_space<vmem>>)
      %scan3A_345 = arith.constant 0 : i32
      %scan3A_346 = arith.constant 64 : i32
      %scan3A_347 = arith.addi %scan3A_345, %scan3A_346 : i32
      %scan3A_348 = arith.constant 1 : i32
      scf.for %scan3A_350 = %scan3A_345 to %scan3A_347 step %scan3A_348  : i32 {
        %jit3A = arith.constant 8 : i32
        %div3A = arith.divsi %scan3A_350, %jit3A : i32
        %sign3A = arith.constant 0 : i32
        %sign3A_351 = arith.cmpi sgt, %scan3A_350, %sign3A : i32
        %sign3A_352 = arith.extui %sign3A_351 : i1 to i32
        %sign3A_353 = arith.constant 0 : i32
        %sign3A_354 = arith.cmpi slt, %scan3A_350, %sign3A_353 : i32
        %sign3A_355 = arith.extui %sign3A_354 : i1 to i32
        %sign3A_356 = arith.subi %sign3A_352, %sign3A_355 : i32
        %sign3A_357 = arith.constant 0 : i32
        %sign3A_358 = arith.cmpi sgt, %jit3A, %sign3A_357 : i32
        %sign3A_359 = arith.extui %sign3A_358 : i1 to i32
        %sign3A_360 = arith.constant 0 : i32
        %sign3A_361 = arith.cmpi slt, %jit3A, %sign3A_360 : i32
        %sign3A_362 = arith.extui %sign3A_361 : i1 to i32
        %sign3A_363 = arith.subi %sign3A_359, %sign3A_362 : i32
        %ne3A = arith.cmpi ne, %sign3A_356, %sign3A_363 : i32
        %rem3A = arith.remsi %scan3A_350, %jit3A : i32
        %ne3A_364 = arith.constant 0 : i32
        %ne3A_365 = arith.cmpi ne, %rem3A, %ne3A_364 : i32
        %and3A = arith.andi %ne3A, %ne3A_365 : i1
        %sub3A = arith.constant 1 : i32
        %sub3A_366 = arith.subi %div3A, %sub3A : i32
        %select_n3A = arith.select %and3A, %sub3A_366, %div3A : i32
        %jit3A_367 = arith.constant 8 : i32
        %eq3A = arith.constant 0 : i32
        %eq3A_368 = arith.cmpi eq, %jit3A_367, %eq3A : i32
        %jit3A_369 = arith.constant 1 : i32
        %select_n3A_370 = arith.select %eq3A_368, %jit3A_369, %jit3A_367 : i32
        %rem3A_371 = arith.remsi %scan3A_350, %select_n3A_370 : i32
        %ne3A_372 = arith.constant 0 : i32
        %ne3A_373 = arith.cmpi ne, %rem3A_371, %ne3A_372 : i32
        %lt3A = arith.constant 0 : i32
        %lt3A_374 = arith.cmpi slt, %rem3A_371, %lt3A : i32
        %lt3A_375 = arith.constant 0 : i32
        %lt3A_376 = arith.cmpi slt, %select_n3A_370, %lt3A_375 : i32
        %ne3A_377 = arith.xori %lt3A_374, %lt3A_376 : i1
        %and3A_378 = arith.andi %ne3A_377, %ne3A_373 : i1
        %add3A_379 = arith.addi %rem3A_371, %select_n3A_370 : i32
        %select_n3A_380 = arith.select %and3A_378, %add3A_379, %rem3A_371 : i32
        %mul3A_381 = arith.constant 16 : i32
        %mul3A_382 = arith.muli %select_n3A_380, %mul3A_381 : i32
        %get3A = arith.index_cast %select_n3A : i32 to index
        %get3A_383 = arith.index_cast %mul3A_382 : i32 to index
        %get3A_384 = tpu.vector_load %arg5[%get3A, %get3A_383] {strides = array<i32>} : memref<8x128xi32, #tpu.memory_space<vmem>>, vector<16xi32>,
        %and3A_385 = arith.constant 3 : i32
        %and3A_386 = vector.broadcast %and3A_385 : i32 to vector<16xi32>
        %and3A_387 = arith.andi %get3A_384, %and3A_386 : vector<16xi32>
        %shift_left3A = arith.constant 2 : i32
        %shift_left3A_388 = vector.broadcast %shift_left3A : i32 to vector<16xi32>
        %shift_left3A_389 = arith.shli %and3A_387, %shift_left3A_388 : vector<16xi32>
        %eq3A_390 = arith.constant 4 : i32
        %eq3A_391 = vector.broadcast %eq3A_390 : i32 to vector<16xi32>
        %eq3A_392 = arith.cmpi eq, %get3A_384, %eq3A_391 : vector<16xi32>
        %select_n3A_393 = arith.select %eq3A_392, %broadcast_in_dim3A_4, %broadcast_in_dim3A_6 : vector<16xi1>, vector<16xf32>
        %mul3A_394 = arith.constant 16 : i32
        %mul3A_395 = arith.muli %scan3A_350, %mul3A_394 : i32
        %add3A_396 = vector.broadcast %mul3A_395 : i32 to vector<16xi32>
        %add3A_397 = arith.addi %add3A_396, %iota3A : vector<16xi32>
        %mul3A_398 = arith.constant 2 : i32
        %mul3A_399 = vector.broadcast %mul3A_398 : i32 to vector<16xi32>
        %mul3A_400 = arith.muli %add3A_397, %mul3A_399 : vector<16xi32>
        %add3A_401 = arith.constant 0 : i32
        %add3A_402 = vector.broadcast %add3A_401 : i32 to vector<16xi32>
        %add3A_403 = arith.addi %shift_left3A_389, %add3A_402 : vector<16xi32>
        %shift_right_arithmetic3A = arith.constant 4 : i32
        %shift_right_arithmetic3A_404 = vector.broadcast %shift_right_arithmetic3A : i32 to vector<16xi32>
        %shift_right_arithmetic3A_405 = arith.shrsi %add3A_403, %shift_right_arithmetic3A_404 : vector<16xi32>
        %add3A_406 = arith.addi %mul3A_400, %shift_right_arithmetic3A_405 : vector<16xi32>
        %shift_left3A_407 = arith.constant 4 : i32
        %shift_left3A_408 = vector.broadcast %shift_left3A_407 : i32 to vector<16xi32>
        %shift_left3A_409 = arith.shli %shift_right_arithmetic3A_405, %shift_left3A_408 : vector<16xi32>
        %sub3A_410 = arith.subi %add3A_403, %shift_left3A_409 : vector<16xi32>
        %gather3A = tpu.vector_load_idx %arg7[%add3A_406, %sub3A_410] : memref<2048x16xf32, #tpu.memory_space<vmem>>[vector<16xi32>, vector<16xi32>], vector<16xf32>,
        %mul3A_411 = arith.mulf %gather3A, %select_n3A_393 : vector<16xf32>
        %broadcast_in_dim3A_412 = arith.constant 0 : i32
        %broadcast_in_dim3A_413 = vector.broadcast %broadcast_in_dim3A_412 : i32 to vector<16xi32>
        tpu.vector_store_idx %arg8[%add3A_397, %broadcast_in_dim3A_413], %mul3A_411 : memref<1024x20xf32, #tpu.memory_space<vmem>>[vector<16xi32>, vector<16xi32>], vector<16xf32>,
        %add3A_414 = arith.constant 1 : i32
        %add3A_415 = vector.broadcast %add3A_414 : i32 to vector<16xi32>
        %add3A_416 = arith.addi %shift_left3A_389, %add3A_415 : vector<16xi32>
        %shift_right_arithmetic3A_417 = arith.constant 4 : i32
        %shift_right_arithmetic3A_418 = vector.broadcast %shift_right_arithmetic3A_417 : i32 to vector<16xi32>
        %shift_right_arithmetic3A_419 = arith.shrsi %add3A_416, %shift_right_arithmetic3A_418 : vector<16xi32>
        %add3A_420 = arith.addi %mul3A_400, %shift_right_arithmetic3A_419 : vector<16xi32>
        %shift_left3A_421 = arith.constant 4 : i32
        %shift_left3A_422 = vector.broadcast %shift_left3A_421 : i32 to vector<16xi32>
        %shift_left3A_423 = arith.shli %shift_right_arithmetic3A_419, %shift_left3A_422 : vector<16xi32>
        %sub3A_424 = arith.subi %add3A_416, %shift_left3A_423 : vector<16xi32>
        %gather3A_425 = tpu.vector_load_idx %arg7[%add3A_420, %sub3A_424] : memref<2048x16xf32, #tpu.memory_space<vmem>>[vector<16xi32>, vector<16xi32>], vector<16xf32>,
        %mul3A_426 = arith.mulf %gather3A_425, %select_n3A_393 : vector<16xf32>
        %broadcast_in_dim3A_427 = arith.constant 1 : i32
        %broadcast_in_dim3A_428 = vector.broadcast %broadcast_in_dim3A_427 : i32 to vector<16xi32>
        tpu.vector_store_idx %arg8[%add3A_397, %broadcast_in_dim3A_428], %mul3A_426 : memref<1024x20xf32, #tpu.memory_space<vmem>>[vector<16xi32>, vector<16xi32>], vector<16xf32>,
        %add3A_429 = arith.constant 2 : i32
        %add3A_430 = vector.broadcast %add3A_429 : i32 to vector<16xi32>
        %add3A_431 = arith.addi %shift_left3A_389, %add3A_430 : vector<16xi32>
        %shift_right_arithmetic3A_432 = arith.constant 4 : i32
        %shift_right_arithmetic3A_433 = vector.broadcast %shift_right_arithmetic3A_432 : i32 to vector<16xi32>
        %shift_right_arithmetic3A_434 = arith.shrsi %add3A_431, %shift_right_arithmetic3A_433 : vector<16xi32>
        %add3A_435 = arith.addi %mul3A_400, %shift_right_arithmetic3A_434 : vector<16xi32>
        %shift_left3A_436 = arith.constant 4 : i32
        %shift_left3A_437 = vector.broadcast %shift_left3A_436 : i32 to vector<16xi32>
        %shift_left3A_438 = arith.shli %shift_right_arithmetic3A_434, %shift_left3A_437 : vector<16xi32>
        %sub3A_439 = arith.subi %add3A_431, %shift_left3A_438 : vector<16xi32>
        %gather3A_440 = tpu.vector_load_idx %arg7[%add3A_435, %sub3A_439] : memref<2048x16xf32, #tpu.memory_space<vmem>>[vector<16xi32>, vector<16xi32>], vector<16xf32>,
        %mul3A_441 = arith.mulf %gather3A_440, %select_n3A_393 : vector<16xf32>
        %broadcast_in_dim3A_442 = arith.constant 2 : i32
        %broadcast_in_dim3A_443 = vector.broadcast %broadcast_in_dim3A_442 : i32 to vector<16xi32>
        tpu.vector_store_idx %arg8[%add3A_397, %broadcast_in_dim3A_443], %mul3A_441 : memref<1024x20xf32, #tpu.memory_space<vmem>>[vector<16xi32>, vector<16xi32>], vector<16xf32>,
        %add3A_444 = arith.constant 3 : i32
        %add3A_445 = vector.broadcast %add3A_444 : i32 to vector<16xi32>
        %add3A_446 = arith.addi %shift_left3A_389, %add3A_445 : vector<16xi32>
        %shift_right_arithmetic3A_447 = arith.constant 4 : i32
        %shift_right_arithmetic3A_448 = vector.broadcast %shift_right_arithmetic3A_447 : i32 to vector<16xi32>
        %shift_right_arithmetic3A_449 = arith.shrsi %add3A_446, %shift_right_arithmetic3A_448 : vector<16xi32>
        %add3A_450 = arith.addi %mul3A_400, %shift_right_arithmetic3A_449 : vector<16xi32>
        %shift_left3A_451 = arith.constant 4 : i32
        %shift_left3A_452 = vector.broadcast %shift_left3A_451 : i32 to vector<16xi32>
        %shift_left3A_453 = arith.shli %shift_right_arithmetic3A_449, %shift_left3A_452 : vector<16xi32>
        %sub3A_454 = arith.subi %add3A_446, %shift_left3A_453 : vector<16xi32>
        %gather3A_455 = tpu.vector_load_idx %arg7[%add3A_450, %sub3A_454] : memref<2048x16xf32, #tpu.memory_space<vmem>>[vector<16xi32>, vector<16xi32>], vector<16xf32>,
        %mul3A_456 = arith.mulf %gather3A_455, %select_n3A_393 : vector<16xf32>
        %broadcast_in_dim3A_457 = arith.constant 3 : i32
        %broadcast_in_dim3A_458 = vector.broadcast %broadcast_in_dim3A_457 : i32 to vector<16xi32>
        tpu.vector_store_idx %arg8[%add3A_397, %broadcast_in_dim3A_458], %mul3A_456 : memref<1024x20xf32, #tpu.memory_space<vmem>>[vector<16xi32>, vector<16xi32>], vector<16xf32>,
        %add3A_459 = arith.constant 4 : i32
        %add3A_460 = vector.broadcast %add3A_459 : i32 to vector<16xi32>
        %add3A_461 = arith.addi %shift_left3A_389, %add3A_460 : vector<16xi32>
        %shift_right_arithmetic3A_462 = arith.constant 4 : i32
        %shift_right_arithmetic3A_463 = vector.broadcast %shift_right_arithmetic3A_462 : i32 to vector<16xi32>
        %shift_right_arithmetic3A_464 = arith.shrsi %add3A_461, %shift_right_arithmetic3A_463 : vector<16xi32>
        %add3A_465 = arith.addi %mul3A_400, %shift_right_arithmetic3A_464 : vector<16xi32>
        %shift_left3A_466 = arith.constant 4 : i32
        %shift_left3A_467 = vector.broadcast %shift_left3A_466 : i32 to vector<16xi32>
        %shift_left3A_468 = arith.shli %shift_right_arithmetic3A_464, %shift_left3A_467 : vector<16xi32>
        %sub3A_469 = arith.subi %add3A_461, %shift_left3A_468 : vector<16xi32>
        %gather3A_470 = tpu.vector_load_idx %arg7[%add3A_465, %sub3A_469] : memref<2048x16xf32, #tpu.memory_space<vmem>>[vector<16xi32>, vector<16xi32>], vector<16xf32>,
        %mul3A_471 = arith.mulf %gather3A_470, %select_n3A_393 : vector<16xf32>
        %broadcast_in_dim3A_472 = arith.constant 4 : i32
        %broadcast_in_dim3A_473 = vector.broadcast %broadcast_in_dim3A_472 : i32 to vector<16xi32>
        tpu.vector_store_idx %arg8[%add3A_397, %broadcast_in_dim3A_473], %mul3A_471 : memref<1024x20xf32, #tpu.memory_space<vmem>>[vector<16xi32>, vector<16xi32>], vector<16xf32>,
        %add3A_474 = arith.constant 5 : i32
        %add3A_475 = vector.broadcast %add3A_474 : i32 to vector<16xi32>
        %add3A_476 = arith.addi %shift_left3A_389, %add3A_475 : vector<16xi32>
        %shift_right_arithmetic3A_477 = arith.constant 4 : i32
        %shift_right_arithmetic3A_478 = vector.broadcast %shift_right_arithmetic3A_477 : i32 to vector<16xi32>
        %shift_right_arithmetic3A_479 = arith.shrsi %add3A_476, %shift_right_arithmetic3A_478 : vector<16xi32>
        %add3A_480 = arith.addi %mul3A_400, %shift_right_arithmetic3A_479 : vector<16xi32>
        %shift_left3A_481 = arith.constant 4 : i32
        %shift_left3A_482 = vector.broadcast %shift_left3A_481 : i32 to vector<16xi32>
        %shift_left3A_483 = arith.shli %shift_right_arithmetic3A_479, %shift_left3A_482 : vector<16xi32>
        %sub3A_484 = arith.subi %add3A_476, %shift_left3A_483 : vector<16xi32>
        %gather3A_485 = tpu.vector_load_idx %arg7[%add3A_480, %sub3A_484] : memref<2048x16xf32, #tpu.memory_space<vmem>>[vector<16xi32>, vector<16xi32>], vector<16xf32>,
        %mul3A_486 = arith.mulf %gather3A_485, %select_n3A_393 : vector<16xf32>
        %broadcast_in_dim3A_487 = arith.constant 5 : i32
        %broadcast_in_dim3A_488 = vector.broadcast %broadcast_in_dim3A_487 : i32 to vector<16xi32>
        tpu.vector_store_idx %arg8[%add3A_397, %broadcast_in_dim3A_488], %mul3A_486 : memref<1024x20xf32, #tpu.memory_space<vmem>>[vector<16xi32>, vector<16xi32>], vector<16xf32>,
        %add3A_489 = arith.constant 6 : i32
        %add3A_490 = vector.broadcast %add3A_489 : i32 to vector<16xi32>
        %add3A_491 = arith.addi %shift_left3A_389, %add3A_490 : vector<16xi32>
        %shift_right_arithmetic3A_492 = arith.constant 4 : i32
        %shift_right_arithmetic3A_493 = vector.broadcast %shift_right_arithmetic3A_492 : i32 to vector<16xi32>
        %shift_right_arithmetic3A_494 = arith.shrsi %add3A_491, %shift_right_arithmetic3A_493 : vector<16xi32>
        %add3A_495 = arith.addi %mul3A_400, %shift_right_arithmetic3A_494 : vector<16xi32>
        %shift_left3A_496 = arith.constant 4 : i32
        %shift_left3A_497 = vector.broadcast %shift_left3A_496 : i32 to vector<16xi32>
        %shift_left3A_498 = arith.shli %shift_right_arithmetic3A_494, %shift_left3A_497 : vector<16xi32>
        %sub3A_499 = arith.subi %add3A_491, %shift_left3A_498 : vector<16xi32>
        %gather3A_500 = tpu.vector_load_idx %arg7[%add3A_495, %sub3A_499] : memref<2048x16xf32, #tpu.memory_space<vmem>>[vector<16xi32>, vector<16xi32>], vector<16xf32>,
        %mul3A_501 = arith.mulf %gather3A_500, %select_n3A_393 : vector<16xf32>
        %broadcast_in_dim3A_502 = arith.constant 6 : i32
        %broadcast_in_dim3A_503 = vector.broadcast %broadcast_in_dim3A_502 : i32 to vector<16xi32>
        tpu.vector_store_idx %arg8[%add3A_397, %broadcast_in_dim3A_503], %mul3A_501 : memref<1024x20xf32, #tpu.memory_space<vmem>>[vector<16xi32>, vector<16xi32>], vector<16xf32>,
        %add3A_504 = arith.constant 7 : i32
        %add3A_505 = vector.broadcast %add3A_504 : i32 to vector<16xi32>
        %add3A_506 = arith.addi %shift_left3A_389, %add3A_505 : vector<16xi32>
        %shift_right_arithmetic3A_507 = arith.constant 4 : i32
        %shift_right_arithmetic3A_508 = vector.broadcast %shift_right_arithmetic3A_507 : i32 to vector<16xi32>
        %shift_right_arithmetic3A_509 = arith.shrsi %add3A_506, %shift_right_arithmetic3A_508 : vector<16xi32>
        %add3A_510 = arith.addi %mul3A_400, %shift_right_arithmetic3A_509 : vector<16xi32>
        %shift_left3A_511 = arith.constant 4 : i32
        %shift_left3A_512 = vector.broadcast %shift_left3A_511 : i32 to vector<16xi32>
        %shift_left3A_513 = arith.shli %shift_right_arithmetic3A_509, %shift_left3A_512 : vector<16xi32>
        %sub3A_514 = arith.subi %add3A_506, %shift_left3A_513 : vector<16xi32>
        %gather3A_515 = tpu.vector_load_idx %arg7[%add3A_510, %sub3A_514] : memref<2048x16xf32, #tpu.memory_space<vmem>>[vector<16xi32>, vector<16xi32>], vector<16xf32>,
        %mul3A_516 = arith.mulf %gather3A_515, %select_n3A_393 : vector<16xf32>
        %broadcast_in_dim3A_517 = arith.constant 7 : i32
        %broadcast_in_dim3A_518 = vector.broadcast %broadcast_in_dim3A_517 : i32 to vector<16xi32>
        tpu.vector_store_idx %arg8[%add3A_397, %broadcast_in_dim3A_518], %mul3A_516 : memref<1024x20xf32, #tpu.memory_space<vmem>>[vector<16xi32>, vector<16xi32>], vector<16xf32>,
        %add3A_519 = arith.constant 8 : i32
        %add3A_520 = vector.broadcast %add3A_519 : i32 to vector<16xi32>
        %add3A_521 = arith.addi %shift_left3A_389, %add3A_520 : vector<16xi32>
        %shift_right_arithmetic3A_522 = arith.constant 4 : i32
        %shift_right_arithmetic3A_523 = vector.broadcast %shift_right_arithmetic3A_522 : i32 to vector<16xi32>
        %shift_right_arithmetic3A_524 = arith.shrsi %add3A_521, %shift_right_arithmetic3A_523 : vector<16xi32>
        %add3A_525 = arith.addi %mul3A_400, %shift_right_arithmetic3A_524 : vector<16xi32>
        %shift_left3A_526 = arith.constant 4 : i32
        %shift_left3A_527 = vector.broadcast %shift_left3A_526 : i32 to vector<16xi32>
        %shift_left3A_528 = arith.shli %shift_right_arithmetic3A_524, %shift_left3A_527 : vector<16xi32>
        %sub3A_529 = arith.subi %add3A_521, %shift_left3A_528 : vector<16xi32>
        %gather3A_530 = tpu.vector_load_idx %arg7[%add3A_525, %sub3A_529] : memref<2048x16xf32, #tpu.memory_space<vmem>>[vector<16xi32>, vector<16xi32>], vector<16xf32>,
        %mul3A_531 = arith.mulf %gather3A_530, %select_n3A_393 : vector<16xf32>
        %broadcast_in_dim3A_532 = arith.constant 8 : i32
        %broadcast_in_dim3A_533 = vector.broadcast %broadcast_in_dim3A_532 : i32 to vector<16xi32>
        tpu.vector_store_idx %arg8[%add3A_397, %broadcast_in_dim3A_533], %mul3A_531 : memref<1024x20xf32, #tpu.memory_space<vmem>>[vector<16xi32>, vector<16xi32>], vector<16xf32>,
        %add3A_534 = arith.constant 9 : i32
        %add3A_535 = vector.broadcast %add3A_534 : i32 to vector<16xi32>
        %add3A_536 = arith.addi %shift_left3A_389, %add3A_535 : vector<16xi32>
        %shift_right_arithmetic3A_537 = arith.constant 4 : i32
        %shift_right_arithmetic3A_538 = vector.broadcast %shift_right_arithmetic3A_537 : i32 to vector<16xi32>
        %shift_right_arithmetic3A_539 = arith.shrsi %add3A_536, %shift_right_arithmetic3A_538 : vector<16xi32>
        %add3A_540 = arith.addi %mul3A_400, %shift_right_arithmetic3A_539 : vector<16xi32>
        %shift_left3A_541 = arith.constant 4 : i32
        %shift_left3A_542 = vector.broadcast %shift_left3A_541 : i32 to vector<16xi32>
        %shift_left3A_543 = arith.shli %shift_right_arithmetic3A_539, %shift_left3A_542 : vector<16xi32>
        %sub3A_544 = arith.subi %add3A_536, %shift_left3A_543 : vector<16xi32>
        %gather3A_545 = tpu.vector_load_idx %arg7[%add3A_540, %sub3A_544] : memref<2048x16xf32, #tpu.memory_space<vmem>>[vector<16xi32>, vector<16xi32>], vector<16xf32>,
        %mul3A_546 = arith.mulf %gather3A_545, %select_n3A_393 : vector<16xf32>
        %broadcast_in_dim3A_547 = arith.constant 9 : i32
        %broadcast_in_dim3A_548 = vector.broadcast %broadcast_in_dim3A_547 : i32 to vector<16xi32>
        tpu.vector_store_idx %arg8[%add3A_397, %broadcast_in_dim3A_548], %mul3A_546 : memref<1024x20xf32, #tpu.memory_space<vmem>>[vector<16xi32>, vector<16xi32>], vector<16xf32>,
        %add3A_549 = arith.constant 10 : i32
        %add3A_550 = vector.broadcast %add3A_549 : i32 to vector<16xi32>
        %add3A_551 = arith.addi %shift_left3A_389, %add3A_550 : vector<16xi32>
        %shift_right_arithmetic3A_552 = arith.constant 4 : i32
        %shift_right_arithmetic3A_553 = vector.broadcast %shift_right_arithmetic3A_552 : i32 to vector<16xi32>
        %shift_right_arithmetic3A_554 = arith.shrsi %add3A_551, %shift_right_arithmetic3A_553 : vector<16xi32>
        %add3A_555 = arith.addi %mul3A_400, %shift_right_arithmetic3A_554 : vector<16xi32>
        %shift_left3A_556 = arith.constant 4 : i32
        %shift_left3A_557 = vector.broadcast %shift_left3A_556 : i32 to vector<16xi32>
        %shift_left3A_558 = arith.shli %shift_right_arithmetic3A_554, %shift_left3A_557 : vector<16xi32>
        %sub3A_559 = arith.subi %add3A_551, %shift_left3A_558 : vector<16xi32>
        %gather3A_560 = tpu.vector_load_idx %arg7[%add3A_555, %sub3A_559] : memref<2048x16xf32, #tpu.memory_space<vmem>>[vector<16xi32>, vector<16xi32>], vector<16xf32>,
        %mul3A_561 = arith.mulf %gather3A_560, %select_n3A_393 : vector<16xf32>
        %broadcast_in_dim3A_562 = arith.constant 10 : i32
        %broadcast_in_dim3A_563 = vector.broadcast %broadcast_in_dim3A_562 : i32 to vector<16xi32>
        tpu.vector_store_idx %arg8[%add3A_397, %broadcast_in_dim3A_563], %mul3A_561 : memref<1024x20xf32, #tpu.memory_space<vmem>>[vector<16xi32>, vector<16xi32>], vector<16xf32>,
        %add3A_564 = arith.constant 11 : i32
        %add3A_565 = vector.broadcast %add3A_564 : i32 to vector<16xi32>
        %add3A_566 = arith.addi %shift_left3A_389, %add3A_565 : vector<16xi32>
        %shift_right_arithmetic3A_567 = arith.constant 4 : i32
        %shift_right_arithmetic3A_568 = vector.broadcast %shift_right_arithmetic3A_567 : i32 to vector<16xi32>
        %shift_right_arithmetic3A_569 = arith.shrsi %add3A_566, %shift_right_arithmetic3A_568 : vector<16xi32>
        %add3A_570 = arith.addi %mul3A_400, %shift_right_arithmetic3A_569 : vector<16xi32>
        %shift_left3A_571 = arith.constant 4 : i32
        %shift_left3A_572 = vector.broadcast %shift_left3A_571 : i32 to vector<16xi32>
        %shift_left3A_573 = arith.shli %shift_right_arithmetic3A_569, %shift_left3A_572 : vector<16xi32>
        %sub3A_574 = arith.subi %add3A_566, %shift_left3A_573 : vector<16xi32>
        %gather3A_575 = tpu.vector_load_idx %arg7[%add3A_570, %sub3A_574] : memref<2048x16xf32, #tpu.memory_space<vmem>>[vector<16xi32>, vector<16xi32>], vector<16xf32>,
        %mul3A_576 = arith.mulf %gather3A_575, %select_n3A_393 : vector<16xf32>
        %broadcast_in_dim3A_577 = arith.constant 11 : i32
        %broadcast_in_dim3A_578 = vector.broadcast %broadcast_in_dim3A_577 : i32 to vector<16xi32>
        tpu.vector_store_idx %arg8[%add3A_397, %broadcast_in_dim3A_578], %mul3A_576 : memref<1024x20xf32, #tpu.memory_space<vmem>>[vector<16xi32>, vector<16xi32>], vector<16xf32>,
        %add3A_579 = arith.constant 12 : i32
        %add3A_580 = vector.broadcast %add3A_579 : i32 to vector<16xi32>
        %add3A_581 = arith.addi %shift_left3A_389, %add3A_580 : vector<16xi32>
        %shift_right_arithmetic3A_582 = arith.constant 4 : i32
        %shift_right_arithmetic3A_583 = vector.broadcast %shift_right_arithmetic3A_582 : i32 to vector<16xi32>
        %shift_right_arithmetic3A_584 = arith.shrsi %add3A_581, %shift_right_arithmetic3A_583 : vector<16xi32>
        %add3A_585 = arith.addi %mul3A_400, %shift_right_arithmetic3A_584 : vector<16xi32>
        %shift_left3A_586 = arith.constant 4 : i32
        %shift_left3A_587 = vector.broadcast %shift_left3A_586 : i32 to vector<16xi32>
        %shift_left3A_588 = arith.shli %shift_right_arithmetic3A_584, %shift_left3A_587 : vector<16xi32>
        %sub3A_589 = arith.subi %add3A_581, %shift_left3A_588 : vector<16xi32>
        %gather3A_590 = tpu.vector_load_idx %arg7[%add3A_585, %sub3A_589] : memref<2048x16xf32, #tpu.memory_space<vmem>>[vector<16xi32>, vector<16xi32>], vector<16xf32>,
        %mul3A_591 = arith.mulf %gather3A_590, %select_n3A_393 : vector<16xf32>
        %broadcast_in_dim3A_592 = arith.constant 12 : i32
        %broadcast_in_dim3A_593 = vector.broadcast %broadcast_in_dim3A_592 : i32 to vector<16xi32>
        tpu.vector_store_idx %arg8[%add3A_397, %broadcast_in_dim3A_593], %mul3A_591 : memref<1024x20xf32, #tpu.memory_space<vmem>>[vector<16xi32>, vector<16xi32>], vector<16xf32>,
        %add3A_594 = arith.constant 13 : i32
        %add3A_595 = vector.broadcast %add3A_594 : i32 to vector<16xi32>
        %add3A_596 = arith.addi %shift_left3A_389, %add3A_595 : vector<16xi32>
        %shift_right_arithmetic3A_597 = arith.constant 4 : i32
        %shift_right_arithmetic3A_598 = vector.broadcast %shift_right_arithmetic3A_597 : i32 to vector<16xi32>
        %shift_right_arithmetic3A_599 = arith.shrsi %add3A_596, %shift_right_arithmetic3A_598 : vector<16xi32>
        %add3A_600 = arith.addi %mul3A_400, %shift_right_arithmetic3A_599 : vector<16xi32>
        %shift_left3A_601 = arith.constant 4 : i32
        %shift_left3A_602 = vector.broadcast %shift_left3A_601 : i32 to vector<16xi32>
        %shift_left3A_603 = arith.shli %shift_right_arithmetic3A_599, %shift_left3A_602 : vector<16xi32>
        %sub3A_604 = arith.subi %add3A_596, %shift_left3A_603 : vector<16xi32>
        %gather3A_605 = tpu.vector_load_idx %arg7[%add3A_600, %sub3A_604] : memref<2048x16xf32, #tpu.memory_space<vmem>>[vector<16xi32>, vector<16xi32>], vector<16xf32>,
        %mul3A_606 = arith.mulf %gather3A_605, %select_n3A_393 : vector<16xf32>
        %broadcast_in_dim3A_607 = arith.constant 13 : i32
        %broadcast_in_dim3A_608 = vector.broadcast %broadcast_in_dim3A_607 : i32 to vector<16xi32>
        tpu.vector_store_idx %arg8[%add3A_397, %broadcast_in_dim3A_608], %mul3A_606 : memref<1024x20xf32, #tpu.memory_space<vmem>>[vector<16xi32>, vector<16xi32>], vector<16xf32>,
        %add3A_609 = arith.constant 14 : i32
        %add3A_610 = vector.broadcast %add3A_609 : i32 to vector<16xi32>
        %add3A_611 = arith.addi %shift_left3A_389, %add3A_610 : vector<16xi32>
        %shift_right_arithmetic3A_612 = arith.constant 4 : i32
        %shift_right_arithmetic3A_613 = vector.broadcast %shift_right_arithmetic3A_612 : i32 to vector<16xi32>
        %shift_right_arithmetic3A_614 = arith.shrsi %add3A_611, %shift_right_arithmetic3A_613 : vector<16xi32>
        %add3A_615 = arith.addi %mul3A_400, %shift_right_arithmetic3A_614 : vector<16xi32>
        %shift_left3A_616 = arith.constant 4 : i32
        %shift_left3A_617 = vector.broadcast %shift_left3A_616 : i32 to vector<16xi32>
        %shift_left3A_618 = arith.shli %shift_right_arithmetic3A_614, %shift_left3A_617 : vector<16xi32>
        %sub3A_619 = arith.subi %add3A_611, %shift_left3A_618 : vector<16xi32>
        %gather3A_620 = tpu.vector_load_idx %arg7[%add3A_615, %sub3A_619] : memref<2048x16xf32, #tpu.memory_space<vmem>>[vector<16xi32>, vector<16xi32>], vector<16xf32>,
        %mul3A_621 = arith.mulf %gather3A_620, %select_n3A_393 : vector<16xf32>
        %broadcast_in_dim3A_622 = arith.constant 14 : i32
        %broadcast_in_dim3A_623 = vector.broadcast %broadcast_in_dim3A_622 : i32 to vector<16xi32>
        tpu.vector_store_idx %arg8[%add3A_397, %broadcast_in_dim3A_623], %mul3A_621 : memref<1024x20xf32, #tpu.memory_space<vmem>>[vector<16xi32>, vector<16xi32>], vector<16xf32>,
        %add3A_624 = arith.constant 15 : i32
        %add3A_625 = vector.broadcast %add3A_624 : i32 to vector<16xi32>
        %add3A_626 = arith.addi %shift_left3A_389, %add3A_625 : vector<16xi32>
        %shift_right_arithmetic3A_627 = arith.constant 4 : i32
        %shift_right_arithmetic3A_628 = vector.broadcast %shift_right_arithmetic3A_627 : i32 to vector<16xi32>
        %shift_right_arithmetic3A_629 = arith.shrsi %add3A_626, %shift_right_arithmetic3A_628 : vector<16xi32>
        %add3A_630 = arith.addi %mul3A_400, %shift_right_arithmetic3A_629 : vector<16xi32>
        %shift_left3A_631 = arith.constant 4 : i32
        %shift_left3A_632 = vector.broadcast %shift_left3A_631 : i32 to vector<16xi32>
        %shift_left3A_633 = arith.shli %shift_right_arithmetic3A_629, %shift_left3A_632 : vector<16xi32>
        %sub3A_634 = arith.subi %add3A_626, %shift_left3A_633 : vector<16xi32>
        %gather3A_635 = tpu.vector_load_idx %arg7[%add3A_630, %sub3A_634] : memref<2048x16xf32, #tpu.memory_space<vmem>>[vector<16xi32>, vector<16xi32>], vector<16xf32>,
        %mul3A_636 = arith.mulf %gather3A_635, %select_n3A_393 : vector<16xf32>
        %broadcast_in_dim3A_637 = arith.constant 15 : i32
        %broadcast_in_dim3A_638 = vector.broadcast %broadcast_in_dim3A_637 : i32 to vector<16xi32>
        tpu.vector_store_idx %arg8[%add3A_397, %broadcast_in_dim3A_638], %mul3A_636 : memref<1024x20xf32, #tpu.memory_space<vmem>>[vector<16xi32>, vector<16xi32>], vector<16xf32>,
        %add3A_639 = arith.constant 16 : i32
        %add3A_640 = vector.broadcast %add3A_639 : i32 to vector<16xi32>
        %add3A_641 = arith.addi %shift_left3A_389, %add3A_640 : vector<16xi32>
        %shift_right_arithmetic3A_642 = arith.constant 4 : i32
        %shift_right_arithmetic3A_643 = vector.broadcast %shift_right_arithmetic3A_642 : i32 to vector<16xi32>
        %shift_right_arithmetic3A_644 = arith.shrsi %add3A_641, %shift_right_arithmetic3A_643 : vector<16xi32>
        %add3A_645 = arith.addi %mul3A_400, %shift_right_arithmetic3A_644 : vector<16xi32>
        %shift_left3A_646 = arith.constant 4 : i32
        %shift_left3A_647 = vector.broadcast %shift_left3A_646 : i32 to vector<16xi32>
        %shift_left3A_648 = arith.shli %shift_right_arithmetic3A_644, %shift_left3A_647 : vector<16xi32>
        %sub3A_649 = arith.subi %add3A_641, %shift_left3A_648 : vector<16xi32>
        %gather3A_650 = tpu.vector_load_idx %arg7[%add3A_645, %sub3A_649] : memref<2048x16xf32, #tpu.memory_space<vmem>>[vector<16xi32>, vector<16xi32>], vector<16xf32>,
        %mul3A_651 = arith.mulf %gather3A_650, %select_n3A_393 : vector<16xf32>
        %broadcast_in_dim3A_652 = arith.constant 16 : i32
        %broadcast_in_dim3A_653 = vector.broadcast %broadcast_in_dim3A_652 : i32 to vector<16xi32>
        tpu.vector_store_idx %arg8[%add3A_397, %broadcast_in_dim3A_653], %mul3A_651 : memref<1024x20xf32, #tpu.memory_space<vmem>>[vector<16xi32>, vector<16xi32>], vector<16xf32>,
        %add3A_654 = arith.constant 17 : i32
        %add3A_655 = vector.broadcast %add3A_654 : i32 to vector<16xi32>
        %add3A_656 = arith.addi %shift_left3A_389, %add3A_655 : vector<16xi32>
        %shift_right_arithmetic3A_657 = arith.constant 4 : i32
        %shift_right_arithmetic3A_658 = vector.broadcast %shift_right_arithmetic3A_657 : i32 to vector<16xi32>
        %shift_right_arithmetic3A_659 = arith.shrsi %add3A_656, %shift_right_arithmetic3A_658 : vector<16xi32>
        %add3A_660 = arith.addi %mul3A_400, %shift_right_arithmetic3A_659 : vector<16xi32>
        %shift_left3A_661 = arith.constant 4 : i32
        %shift_left3A_662 = vector.broadcast %shift_left3A_661 : i32 to vector<16xi32>
        %shift_left3A_663 = arith.shli %shift_right_arithmetic3A_659, %shift_left3A_662 : vector<16xi32>
        %sub3A_664 = arith.subi %add3A_656, %shift_left3A_663 : vector<16xi32>
        %gather3A_665 = tpu.vector_load_idx %arg7[%add3A_660, %sub3A_664] : memref<2048x16xf32, #tpu.memory_space<vmem>>[vector<16xi32>, vector<16xi32>], vector<16xf32>,
        %mul3A_666 = arith.mulf %gather3A_665, %select_n3A_393 : vector<16xf32>
        %broadcast_in_dim3A_667 = arith.constant 17 : i32
        %broadcast_in_dim3A_668 = vector.broadcast %broadcast_in_dim3A_667 : i32 to vector<16xi32>
        tpu.vector_store_idx %arg8[%add3A_397, %broadcast_in_dim3A_668], %mul3A_666 : memref<1024x20xf32, #tpu.memory_space<vmem>>[vector<16xi32>, vector<16xi32>], vector<16xf32>,
        %add3A_669 = arith.constant 18 : i32
        %add3A_670 = vector.broadcast %add3A_669 : i32 to vector<16xi32>
        %add3A_671 = arith.addi %shift_left3A_389, %add3A_670 : vector<16xi32>
        %shift_right_arithmetic3A_672 = arith.constant 4 : i32
        %shift_right_arithmetic3A_673 = vector.broadcast %shift_right_arithmetic3A_672 : i32 to vector<16xi32>
        %shift_right_arithmetic3A_674 = arith.shrsi %add3A_671, %shift_right_arithmetic3A_673 : vector<16xi32>
        %add3A_675 = arith.addi %mul3A_400, %shift_right_arithmetic3A_674 : vector<16xi32>
        %shift_left3A_676 = arith.constant 4 : i32
        %shift_left3A_677 = vector.broadcast %shift_left3A_676 : i32 to vector<16xi32>
        %shift_left3A_678 = arith.shli %shift_right_arithmetic3A_674, %shift_left3A_677 : vector<16xi32>
        %sub3A_679 = arith.subi %add3A_671, %shift_left3A_678 : vector<16xi32>
        %gather3A_680 = tpu.vector_load_idx %arg7[%add3A_675, %sub3A_679] : memref<2048x16xf32, #tpu.memory_space<vmem>>[vector<16xi32>, vector<16xi32>], vector<16xf32>,
        %mul3A_681 = arith.mulf %gather3A_680, %select_n3A_393 : vector<16xf32>
        %broadcast_in_dim3A_682 = arith.constant 18 : i32
        %broadcast_in_dim3A_683 = vector.broadcast %broadcast_in_dim3A_682 : i32 to vector<16xi32>
        tpu.vector_store_idx %arg8[%add3A_397, %broadcast_in_dim3A_683], %mul3A_681 : memref<1024x20xf32, #tpu.memory_space<vmem>>[vector<16xi32>, vector<16xi32>], vector<16xf32>,
        %add3A_684 = arith.constant 19 : i32
        %add3A_685 = vector.broadcast %add3A_684 : i32 to vector<16xi32>
        %add3A_686 = arith.addi %shift_left3A_389, %add3A_685 : vector<16xi32>
        %shift_right_arithmetic3A_687 = arith.constant 4 : i32
        %shift_right_arithmetic3A_688 = vector.broadcast %shift_right_arithmetic3A_687 : i32 to vector<16xi32>
        %shift_right_arithmetic3A_689 = arith.shrsi %add3A_686, %shift_right_arithmetic3A_688 : vector<16xi32>
        %add3A_690 = arith.addi %mul3A_400, %shift_right_arithmetic3A_689 : vector<16xi32>
        %shift_left3A_691 = arith.constant 4 : i32
        %shift_left3A_692 = vector.broadcast %shift_left3A_691 : i32 to vector<16xi32>
        %shift_left3A_693 = arith.shli %shift_right_arithmetic3A_689, %shift_left3A_692 : vector<16xi32>
        %sub3A_694 = arith.subi %add3A_686, %shift_left3A_693 : vector<16xi32>
        %gather3A_695 = tpu.vector_load_idx %arg7[%add3A_690, %sub3A_694] : memref<2048x16xf32, #tpu.memory_space<vmem>>[vector<16xi32>, vector<16xi32>], vector<16xf32>,
        %mul3A_696 = arith.mulf %gather3A_695, %select_n3A_393 : vector<16xf32>
        %broadcast_in_dim3A_697 = arith.constant 19 : i32
        %broadcast_in_dim3A_698 = vector.broadcast %broadcast_in_dim3A_697 : i32 to vector<16xi32>
        tpu.vector_store_idx %arg8[%add3A_397, %broadcast_in_dim3A_698], %mul3A_696 : memref<1024x20xf32, #tpu.memory_space<vmem>>[vector<16xi32>, vector<16xi32>], vector<16xf32>,
      }
      %scan3A_349 = arith.constant 64 : i32
      "tpu.region"() ({
        %run_scoped3A = tpu.sem_alloc : memref<!tpu.dma_semaphore, #tpu.memory_space<semaphore_mem>>
        %dma_start3A_350 = arith.constant 0 : i32
        %dma_start3A_351 = tpu.memref_slice %arg4[%add3A_21, %dma_start3A_350] : memref<491520x20xf32, #tpu.memory_space<hbm>> -> memref<1024x20xf32, #tpu.memory_space<hbm>>
        %dma_start3A_352 = arith.constant 0 : i32
        %dma_start3A_353 = tpu.memref_slice %arg4[%add3A_21, %dma_start3A_352] : memref<491520x20xf32, #tpu.memory_space<hbm>> -> memref<1024x20xf32, #tpu.memory_space<hbm>>
        tpu.enqueue_dma source(%arg8 : memref<1024x20xf32, #tpu.memory_space<vmem>>) target(%dma_start3A_353 : memref<1024x20xf32, #tpu.memory_space<hbm>>) target_semaphore(%run_scoped3A : memref<!tpu.dma_semaphore, #tpu.memory_space<semaphore_mem>>)
        %dma_wait3A_354 = arith.constant 0 : i32
        %dma_wait3A_355 = tpu.memref_slice %arg4[%add3A_21, %dma_wait3A_354] : memref<491520x20xf32, #tpu.memory_space<hbm>> -> memref<1024x20xf32, #tpu.memory_space<hbm>>
        %dma_wait3A_356 = arith.constant 0 : i32
        %dma_wait3A_357 = tpu.memref_slice %arg4[%add3A_21, %dma_wait3A_356] : memref<491520x20xf32, #tpu.memory_space<hbm>> -> memref<1024x20xf32, #tpu.memory_space<hbm>>
        tpu.wait_dma2 semaphore(%run_scoped3A : memref<!tpu.dma_semaphore, #tpu.memory_space<semaphore_mem>>) src(%arg8 : memref<1024x20xf32, #tpu.memory_space<vmem>>) dst(%dma_wait3A_357 : memref<1024x20xf32, #tpu.memory_space<hbm>>)
        tpu.yield
      }) : () -> ()
    }
    %scan3A_10 = arith.constant 15 : i32
    return
  }
}

</mosaic_0001>

<sc_bundles>
// kernel: kernel.3.cloned.1.call-start
scs
__scs_entry_jumppad:
0x0: {  	(pc) =	sbr.rel $0x88, $3  }
0x1: {  	(tag) =	ssettag $0x0;
	lr =	simm.s32 $0x1  }
0x2: {  	[smem:$0x3F9F] =	sst lr;
	_ =	strace $0xD0000000  }
0x3: {  	_ = 	snop  }
0x4: {  	_ = 	snop  }
0x5: {  	_ = 	snop  }
0x6: {  	_ = 	snop  }
0x7: {  	_ = 	snop  }
__scs_overlays_trampoline_lowered:
0x8: {  	[smem:$0x3FAE] =	sst s0  }
0x9: {  	[smem:$0x3FAF] =	sst s1  }
0xa: {  	[smem:$0x3FB0] =	sst s2  }
0xb: {  	[smem:$0x3FB1] =	sst s3  }
0xc: {  	[smem:$0x3FB2] =	sst s4  }
0xd: {  	[smem:$0x3FB3] =	sst s5  }
0xe: {  	[smem:$0x3FB4] =	sst s6  }
0xf: {  	[smem:$0x3FB5] =	sst s7  }
0x10: {  	[smem:$0x3FB6] =	sst s8  }
0x11: {  	[smem:$0x3FB7] =	sst s9;
	s0 =	simm.s32 @!p0 $0x0  }
0x12: {  	s1 =	sld [smem:$0x3F9D];
	s0 =	simm.s32 @p0 $0x1  }
0x13: {  	[smem:$0x3FB8] =	sst s0;
	s0 =	simm.s32 @!p1 $0x0  }
0x14: {  	s2 =	sld [smem:$0x3F9C];
	s0 =	simm.s32 @p1 $0x1  }
0x15: {  	[smem:$0x3FB9] =	sst s0;
	s0 =	simm.s32 @!p2 $0x0  }
0x16: {  	s3 =	sld [smem:$0x3FDB];
	s0 =	simm.s32 @p2 $0x1  }
0x17: {  	s4 =	simm.s32 $0x1BF5;
	[smem:$0x3FBB] =	sst s0  }
0x18: {  	s0 =	sld [smem:$0x3F9E];
	_ =	swait.ge [sflag:s4], $0x0  }
0x19: {  	s7 =	sld [smem:$0x3F9F]  }
0x1a: {  	s8 =	sadd.s32 $0xFFFFE003, lr  }
0x1b: {  	s9 =	sadd.s32 $0xFFFFFEF7, lr;
	s5 =	simm.s32 $0xFFFFFFFF;
	p2 =	slt.u32 s8, $0xFFFFF086  }
0x1c: {  	p1 =	slt.u32 s9, $0xF7A;
	s5 =	simm.s32 @!p2 $0x0  }
0x1d: {  	s5 =	simm.s32 @p1 $0x1;
	p0 =	seq.s32 s7, s2  }
0x1e: {  	s7 =	smul.u32 @!p0 $0xF7A, s2;
	p2 =	seq.s32 @!p0 s5, $0x0  }
0x1f: {  	s9 =	smul.u32 $0xF7A, s1;
	s8 =	simm.s32 @!p0 $0x1BF5;
	p2 =	por !p2, p0  }
0x20: {  	[sflag:s8] =	ssyncset.s32 @!p0 $0xFFFFF086;
	s6 =	sadd.s32 @!p0 s3, s7;
	s7 =	simm.s32 @!p0 $0x108  }
0x21: {  	s3 =	sadd.s32 s3, s9;
	s6 =	sadd.s32 @!p0 $0x88, s6;
	s7 =	simm.s32 @p2 $0x1082  }
0x22: {  	[simem:s7], [sflag:s8] =	dma.local @!p0 [hbm:s6], $0xF7A  }
0x23: {  	s9 =	sor.u32 $0xD0000000, s2;
	s6 =	simm.s32 $0x108;
	_ =	swait.ge @!p0 [sflag:s8], $0x0  }
0x24: {  	s3 =	sadd.s32 $0x88, s3;
	s6 =	simm.s32 @!p1 $0x1082;
	[sflag:s4] =	ssyncset.s32 $0xFFFFF086  }
0x25: {  	[simem:s6], [sflag:s4] =	dma.local [hbm:s3], $0xF7A  }
0x26: {  	[smem:$0x3F9F] =	sst s1;
	(tag) =	ssettag s2;
	_ =	strace s9  }
0x27: {  	s1 =	sld [smem:$0x3FAF]  }
0x28: {  	s2 =	sld [smem:$0x3FB0]  }
0x29: {  	s4 =	sld [smem:$0x3FB2]  }
0x2a: {  	p0 =	seq.s32 s5, $0x0;
	s5 =	sld [smem:$0x3FB3]  }
0x2b: {  	s6 =	sld [smem:$0x3FB4]  }
0x2c: {  	s7 =	sld [smem:$0x3FB5]  }
0x2d: {  	s3 =	simm.s32 $0x108;
	s8 =	sld [smem:$0x3FB6]  }
0x2e: {  	s3 =	simm.s32 @!p0 $0x1082;
	s9 =	sld [smem:$0x3FB7]  }
0x2f: {  	lr =	sadd.s32 s0, s3;
	s0 =	sld [smem:$0x3FAE]  }
0x30: {  	s3 =	sld [smem:$0x3FB1]  }
0x31: {  	[smem:$0x3FBA] =	sst s10  }
0x32: {  	s10 =	sld [smem:$0x3FB8];
	_ =	sdelay $0x3  }
0x33: {  	p0 =	seq.s32 s10, $0x1;
	s10 =	sld [smem:$0x3FBA];
	_ =	sdelay $0x3  }
0x34: {  	[smem:$0x3FBA] =	sst s10  }
0x35: {  	s10 =	sld [smem:$0x3FB9];
	_ =	sdelay $0x3  }
0x36: {  	p1 =	seq.s32 s10, $0x1;
	s10 =	sld [smem:$0x3FBA];
	_ =	sdelay $0x3  }
0x37: {  	[smem:$0x3FBA] =	sst s10  }
0x38: {  	s10 =	sld [smem:$0x3FBB]  }
0x39: {  	_ = 	snop;
	(pc) =	sbr.ind lr, $3  }
0x3a: {  	_ = 	snop  }
0x3b: {  	_ = 	snop  }
0x3c: {  	p2 =	seq.s32 s10, $0x1;
	s10 =	sld [smem:$0x3FBA]  }
0x3d: {  	_ =	shalt  }
0x3e: {  	_ =	shalt  }
0x3f: {  	_ =	shalt  }
0x40: {  	_ =	shalt  }
0x41: {  	_ =	shalt  }
0x42: {  	_ =	shalt  }
0x43: {  	_ =	shalt  }
0x44: {  	_ =	shalt  }
0x45: {  	_ =	shalt  }
0x46: {  	_ =	shalt  }
0x47: {  	_ =	shalt  }
0x48: {  	_ =	shalt  }
0x49: {  	_ =	shalt  }
0x4a: {  	_ =	shalt  }
0x4b: {  	_ =	shalt  }
0x4c: {  	_ =	shalt  }
0x4d: {  	_ =	shalt  }
0x4e: {  	_ =	shalt  }
0x4f: {  	_ =	shalt  }
0x50: {  	_ =	shalt  }
0x51: {  	_ =	shalt  }
0x52: {  	_ =	shalt  }
0x53: {  	_ =	shalt  }
0x54: {  	_ =	shalt  }
0x55: {  	_ =	shalt  }
0x56: {  	_ =	shalt  }
0x57: {  	_ =	shalt  }
0x58: {  	_ =	shalt  }
0x59: {  	_ =	shalt  }
0x5a: {  	_ =	shalt  }
0x5b: {  	_ =	shalt  }
0x5c: {  	_ =	shalt  }
0x5d: {  	_ =	shalt  }
0x5e: {  	_ =	shalt  }
0x5f: {  	_ =	shalt  }
0x60: {  	_ =	shalt  }
0x61: {  	_ =	shalt  }
0x62: {  	_ =	shalt  }
0x63: {  	_ =	shalt  }
0x64: {  	_ =	shalt  }
0x65: {  	_ =	shalt  }
0x66: {  	_ =	shalt  }
0x67: {  	_ =	shalt  }
0x68: {  	_ =	shalt  }
0x69: {  	_ =	shalt  }
0x6a: {  	_ =	shalt  }
0x6b: {  	_ =	shalt  }
0x6c: {  	_ =	shalt  }
0x6d: {  	_ =	shalt  }
0x6e: {  	_ =	shalt  }
0x6f: {  	_ =	shalt  }
0x70: {  	_ =	shalt  }
0x71: {  	_ =	shalt  }
0x72: {  	_ =	shalt  }
0x73: {  	_ =	shalt  }
0x74: {  	_ =	shalt  }
0x75: {  	_ =	shalt  }
0x76: {  	_ =	shalt  }
0x77: {  	_ =	shalt  }
0x78: {  	_ =	shalt  }
0x79: {  	_ =	shalt  }
0x7a: {  	_ =	shalt  }
0x7b: {  	_ =	shalt  }
0x7c: {  	_ =	shalt  }
0x7d: {  	_ =	shalt  }
0x7e: {  	_ =	shalt  }
0x7f: {  	_ =	shalt  }
0x80: {  	_ =	shalt  }
0x81: {  	_ =	shalt  }
0x82: {  	_ =	shalt  }
0x83: {  	_ =	shalt  }
0x84: {  	_ =	shalt  }
0x85: {  	_ =	shalt  }
0x86: {  	_ =	shalt  }
0x87: {  	_ =	shalt  }
.Lfunc_end0:
.L_simem_size_0:
called_computation.2_lowered:
.L_overlay_start_0:
0x88: {  	s2 =	sld [smem:$0x3FD9]  }
0x89: {  	s3 =	sld [smem:$0x3FFE];
	_ =	sdelay $0x1  }
0x8a: {  	s1 =	srdreg.scid  }
0x8b: {  	s0 =	sand.u32 $0x1, s1  }
0x8c: {  	s17 =	sshll.u32 s0, $0xA;
	s2 =	sadd.s32 s3, s2  }
0x8d: {  	s2 =	sadd.s32 s2, s17  }
0x8e: {  	[smem:$0x3FC6] =	sst s2  }
0x8f: {  	_ = 	snop  }
0x90: {  	s2 =	sld [smem:$0x3FD0];
	(tm) =	ssettm $0x1  }
0x91: {  	s18 =	sld [smem:$0x3FFB];
	_ =	sdelay $0x3  }
0x92: {  	_ =	strace s18  }
0x93: {  	s3 =	sld [smem:$0x3FFC];
	_ =	sdelay $0x3  }
0x94: {  	_ =	strace s3  }
0x95: {  	s3 =	sld [smem:$0x3FFD];
	_ =	sdelay $0x3  }
0x96: {  	_ =	strace s3  }
0x97: {  	_ =	strace $0x8FFFFFFF  }
0x98: {  	s19 =	sld [smem:$0x3FDB];
	_ =	sdelay $0x1  }
0x99: {  	s4 =	simm.s32 $_scs_section_size  }
0x9a: {  	s5 =	simm.s32 $_size__tile_overlayer_lowered;
	s6 =	simm.s32 $_tile_overlayer_lowered  }
0x9b: {  	s22 =	simm.s32 $0x1BFF;
	s21 =	sshll.u32 s6, $0x1;
	s3 =	sadd.s32 s4, s19  }
0x9c: {  	s7 =	simm.s32 $0x0;
	s20 =	sshll.u32 s5, $0x1;
	s5 =	sadd.s32 s21, s3  }
0x9d: {  	[timem:s7], [sflag:s22] =	dma.local [hbm:s5], s20  }
0x9e: {  	_ =	swait.ge [sflag:s22], s20  }
0x9f: {  	s4 =	ssub.s32 $0x0, s20;
	[sflag:s22] =	ssyncset.done $0x0  }
0xa0: {  	[sflag:s22] =	ssyncadd.s32 s4;
	_ =	sdelay $0x1  }
0xa1: {  	s23 =	simm.s32 $0x1B8B  }
0xa2: {  	_ =	swait.ge [sflag:s23], $0x1  }
0xa3: {  	[sflag:s23] =	ssyncset.done $0x0  }
0xa4: {  	s25 =	simm.s32 $0x1B8E;
	s24 =	sld [smem:$0x3FFE];
	[sflag:s23] =	ssyncadd.s32 $0xFFFFFFFF  }
0xa5: {  	s26 =	simm.s32 $execute0_lowered;
	[smem:$0x3FD2] =	sst s25  }
0xa6: {  	s5 =	sshll.u32 s26, $0x1;
	_ =	strace $0x80000046;
	[dreg:$0x1] =	wrdreg $0xFFFFFFFF  }
0xa7: {  	s28 =	simm.s32 $_size_execute0_lowered;
	s3 =	sadd.s32 s3, s5;
	[dreg:$0x0] =	wrdreg $0x0  }
0xa8: {  	s5 =	sshll.u32 s28, $0x1;
	[dreg:$0x2] =	wrdreg s3  }
0xa9: {  	[dreg:$0x3] =	wrdreg s5  }
0xaa: {  	[dreg:$0x4] =	wrdreg $0xC0  }
0xab: {  	_ =	task [dreg:s7], $0x5FFFF  }
0xac: {  	[dreg:$0x1] =	wrdreg $0xFFFFFFFF  }
0xad: {  	[dreg:$0x0] =	wrdreg $0x60  }
0xae: {  	[dreg:$0x2] =	wrdreg s2  }
0xaf: {  	[dreg:$0x3] =	wrdreg s24  }
0xb0: {  	[dreg:$0x4] =	wrdreg $0x9  }
0xb1: {  	_ =	task.clear_ibuf [dreg:s7], $0x5FFFF;
	_ =	strace $0x90000046  }
0xb2: {  	s29 =	simm.s32 $0x9;
	_ =	strace $0x80000048  }
0xb3: {  	_ =	swait.ge [sflag:s29], $0x1  }
0xb4: {  	[sflag:s29] =	ssyncadd.s32 $0xFFFFFFFF  }
0xb5: {  	_ =	strace $0x90000048  }
0xb6: {  	_ =	sfence  }
0xb7: {  	s30 =	sld [smem:$0x0];
	_ =	sdelay $0x2  }
0xb8: {  	s31 =	sshll.u32 s1, $0xD;
	s1 =	sshrl.u32 s1, $0x2  }
0xb9: {  	s3 =	sand.u32 $0x4000, s31;
	s1 =	sadd.s32 s1, s30  }
0xba: {  	s0 =	sor.u32 s3, s0;
	s1 =	sshll.u32 s1, $0x11  }
0xbb: {  	s0 =	sor.u32 s1, s0  }
0xbc: {  	s0 =	sadd.s32 $0x8F2B, s0  }
0xbd: {  	[sflag:s0] =	ssyncadd.remote.s32 $0x1  }
0xbe: {  	_ =	sfence.sel $0xFFFF  }
0xbf: {  	[dreg:$0x0] =	wrdreg $0xFFFFFFFF;
	(pc) =	sbr.abs _section_cstart, $3  }
0xc0: {  	[dreg:$0x1] =	wrdreg $0xFFFFFFFF  }
0xc1: {  	_ =	task.clear_ibuf [dreg:s7], $0x2FFFF;
	_ =	strace $0x9FFFFFFF  }
0xc2: {  	(tm) =	ssettm $0x7FFFFFFF  }
0xc3: {  	_ =	shalt  }
tec
execute0_lowered:
.L_overlay_start_1:
0x0: {  	(tag) =	ssettag $0x1  }
0x1: {  	s0 =	rddreg [dreg:$0x1]  }
0x2: {  	s2 =	simm.s32 $0x0;
	s1 =	srdreg.scid;
	s5 =	stileid.u32  }
0x3: {  	s8 =	simm.s32 $0x2;
	s9 =	simm.s32 $0x400;
	s10 =	simm.s32 $0x80  }
0x4: {  	s11 =	simm.s32 $0xC00;
	s30 =	simm.s32 $0x5400;
	s31 =	simm.s32 $0x900  }
0x5: {  	s7 =	simm.s32 $0x6400;
	s12 =	simm.s32 $0xA80;
	s13 =	simm.s32 $0x7400  }
0x6: {  	s14 =	simm.s32 $0xB00;
	s15 =	simm.s32 $0x7C00;
	s16 =	simm.s32 $0xB80  }
0x7: {  	s17 =	simm.s32 $0x8400;
	s18 =	simm.s32 $0x1;
	s19 =	simm.s32 $0x8C00  }
0x8: {  	s21 =	simm.s32 $0x0;
	[smem:$0x7FF] =	sst s2;
	s1 =	sand.u32 $0x1, s1  }
0x9: {  	s4 =	sadd.s32 $0xF43200, s0;
	s6 =	sshll.u32 s5, $0x1;
	s28 =	ssub.s32 $0x2, s1  }
0xa: {  	v0 =	vlaneseq.u32;
	s5 =	sadd.s32 $0xE00, s0;
	s2 =	simm.s32 $0x6C00;
	s3 =	sshrl.u32 s28, $0x1  }
0xb: {  	v1 =	vmul.u32 $0x2, v0;
	_ =	strace $0x80000047;
	s1 =	sor.u32 s1, s6;
	s29 =	ssub.s32 s28, s3  }
0xc: {  	s6 =	smul.u32 $0x3C00, s1;
	s1 =	simm.s32 $0xA00;
	s0 =	smax.u32 s29, $0x1  }
0xd: {  	v3 =	vimm.f32 $1.000000000e+00;
	v2 =	vor.u32 $0x1, v1;
	s3 =	simm.s32 $0x980;
	[dreg:$0x3] =	wrdreg s0;
	s0 =	simm.s32 $0x5C00  }
.LBB2_1:
0xe: {  	[dreg:$0x4] =	wrdreg s21;
	s20 =	simm.s32 $0x0  }
.LBB2_2:
0xf: {  	s21 =	sshll.u32 s20, $0xA  }
0x10: {  	s21 =	sadd.s32 s6, s21  }
0x11: {  	s23 =	rddreg [dreg:$0x0];
	s22 =	sshrl.u32 s21, $0x3  }
0x12: {  	s23 =	sadd.s32 s23, s22;
	s22 =	simm.s32 $0x0  }
0x13: {  	[tilespmem:s22], [sflag:$0x2] =	stream.linear.gather [hbm4b:s23+s22], $0x400, $0x38;
	[tilespmem:$0xEC00] =	vst v63  }
0x14: {  	s25 =	sand.u32 $0xE00, s22;
	_ =	swait.ge [sflag:s8], $0x400  }
0x15: {  	s24 =	sand.u32 $0x70, s22;
	s23 =	sshrl.u32 s25, $0x2;
	[sflag:s8] =	ssyncset.done $0x0  }
0x16: {  	s23 =	sor.u32 s24, s23;
	[sflag:s8] =	ssyncadd.s32 $0xFFFFFC00  }
0x17: {  	v4 =	vld [tilespmem:s23+$0x0]  }
0x18: {  	s26 =	simm.s32 $0x0  }
0x19: {  	s29 =	sand.u32 $0x60, s22;
	s25 =	sand.u32 $0xFFFFFF80, s26  }
0x1a: {  	s25 =	sor.u32 s29, s25  }
0x1b: {  	v5 =	vor.u32 s25, v1  }
0x1c: {  	v6 =	vmul.u32 $0x5, v4;
	v4 =	vor.u32 s25, v2;
	_ =	sdelay $0x1  }
0x1d: {  	s26 =	simm.s32 $0x10;
	s24 =	simm.s32 $0x40  }
0x1e: {  	s28 =	sand.u32 $0xE00, s24;
	s23 =	simm.s32 $0x1;
	s25 =	simm.s32 $0x2;
	v6 =	vshra.s32 v6, $0x2  }
.LBB2_3:
0x1f: {  	p0 =	sne.s32 s25, $0x3F;
	s29 =	sand.u32 $0x70, s26;
	s28 =	sshrl.u32 s28, $0x2;
	[tilespmem:v5+s9+$0x0] =	vst.idx.msk $0xffff, v6;
	v5 =	vadd.s32 $0x1, v6  }
0x20: {  	s28 =	sor.u32 s29, s28;
	[tilespmem:v4+s9+$0x0] =	vst.idx.msk $0xffff, v5  }
0x21: {  	s22 =	sadd.s32 $0x20, s22;
	v6 =	vld [tilespmem:s28+$0x0];
	s28 =	sshll.u32 s23, $0x5;
	s23 =	smov.u32 s25  }
0x22: {  	s29 =	sand.u32 $0x60, s22;
	s28 =	sand.u32 $0xFFFFFF80, s28  }
0x23: {  	s28 =	sor.u32 s29, s28  }
.Ltmp0:
0x24: {  	v5 =	vor.u32 s28, v1;
	(pc) =	sbr.rel @p0 .LBB2_3-.Ltmp0, $4  }
0x25: {  	v4 =	vor.u32 s28, v2  }
0x26: {  	v6 =	vmul.u32 $0x5, v6  }
0x27: {  	s24 =	sadd.s32 $0x40, s24  }
0x28: {  	s26 =	sadd.s32 $0x10, s26;
	s25 =	sadd.s32 $0x1, s25;
	s28 =	sand.u32 $0xE00, s24;
	v6 =	vshra.s32 v6, $0x2  }
0x29: {  	_ =	sdelay $0x3  }
0x2a: {  	s24 =	sand.u32 $0x70, s26;
	s25 =	sshrl.u32 s28, $0x2;
	[tilespmem:v5+s9+$0x0] =	vst.idx.msk $0xffff, v6;
	v5 =	vadd.s32 $0x1, v6  }
0x2b: {  	s24 =	sor.u32 s24, s25;
	[tilespmem:v4+s9+$0x0] =	vst.idx.msk $0xffff, v5  }
0x2c: {  	s23 =	sshll.u32 s23, $0x5;
	s22 =	sadd.s32 $0x20, s22;
	v4 =	vld [tilespmem:s24+$0x0]  }
0x2d: {  	s22 =	sand.u32 $0x60, s22;
	s23 =	sand.u32 $0xFFFFFF80, s23  }
0x2e: {  	s22 =	sor.u32 s22, s23  }
0x2f: {  	v5 =	vor.u32 s22, v1  }
0x30: {  	v6 =	vor.u32 s22, v2  }
0x31: {  	v4 =	vmul.u32 $0x5, v4;
	_ =	sdelay $0x1  }
0x32: {  	v4 =	vshra.s32 v4, $0x2  }
0x33: {  	[tilespmem:v5+s9+$0x0] =	vst.idx.msk $0xffff, v4;
	v4 =	vadd.s32 $0x1, v4  }
0x34: {  	[tilespmem:v6+s9+$0x0] =	vst.idx.msk $0xffff, v4  }
0x35: {  	[tilespmem:s11], [sflag:$0x1] =	stream.indirect.gather [hbm4b:s4+s10], $0x10, s9, s10, $0xb8;
	[tilespmem:$0xEC00] =	vst v63  }
0x36: {  	s23 =	simm.s32 $0x480;
	s24 =	simm.s32 $0x1400  }
0x37: {  	[tilespmem:s24], [sflag:$0x1] =	stream.indirect.gather [hbm4b:s4+s10], $0x10, s23, s10, $0xb8;
	[tilespmem:$0xEC00] =	vst v63  }
0x38: {  	s26 =	simm.s32 $0x1C00;
	s25 =	simm.s32 $0x500  }
0x39: {  	[tilespmem:s26], [sflag:$0x1] =	stream.indirect.gather [hbm4b:s4+s10], $0x10, s25, s10, $0xb8;
	[tilespmem:$0xEC00] =	vst v63  }
0x3a: {  	s28 =	simm.s32 $0x580;
	s29 =	simm.s32 $0x2400  }
0x3b: {  	[tilespmem:s29], [sflag:$0x1] =	stream.indirect.gather [hbm4b:s4+s10], $0x10, s28, s10, $0xb8;
	[tilespmem:$0xEC00] =	vst v63  }
0x3c: {  	s23 =	simm.s32 $0x600;
	s24 =	simm.s32 $0x2C00  }
0x3d: {  	[tilespmem:s24], [sflag:$0x1] =	stream.indirect.gather [hbm4b:s4+s10], $0x10, s23, s10, $0xb8;
	[tilespmem:$0xEC00] =	vst v63  }
0x3e: {  	s25 =	simm.s32 $0x680;
	s26 =	simm.s32 $0x3400  }
0x3f: {  	[tilespmem:s26], [sflag:$0x1] =	stream.indirect.gather [hbm4b:s4+s10], $0x10, s25, s10, $0xb8;
	[tilespmem:$0xEC00] =	vst v63  }
0x40: {  	s28 =	simm.s32 $0x700;
	s29 =	simm.s32 $0x3C00  }
0x41: {  	[tilespmem:s29], [sflag:$0x1] =	stream.indirect.gather [hbm4b:s4+s10], $0x10, s28, s10, $0xb8;
	[tilespmem:$0xEC00] =	vst v63  }
0x42: {  	s23 =	simm.s32 $0x780;
	s24 =	simm.s32 $0x4400  }
0x43: {  	[tilespmem:s24], [sflag:$0x1] =	stream.indirect.gather [hbm4b:s4+s10], $0x10, s23, s10, $0xb8;
	[tilespmem:$0xEC00] =	vst v63  }
0x44: {  	s25 =	simm.s32 $0x800;
	s26 =	simm.s32 $0x4C00  }
0x45: {  	[tilespmem:s26], [sflag:$0x1] =	stream.indirect.gather [hbm4b:s4+s10], $0x10, s25, s10, $0xb8;
	[tilespmem:$0xEC00] =	vst v63  }
0x46: {  	s28 =	simm.s32 $0x880  }
0x47: {  	[tilespmem:s30], [sflag:$0x1] =	stream.indirect.gather [hbm4b:s4+s10], $0x10, s28, s10, $0xb8;
	[tilespmem:$0xEC00] =	vst v63  }
0x48: {  	_ = 	snop  }
0x49: {  	[tilespmem:s0], [sflag:$0x1] =	stream.indirect.gather [hbm4b:s4+s10], $0x10, s31, s10, $0xb8;
	[tilespmem:$0xEC00] =	vst v63  }
0x4a: {  	_ = 	snop  }
0x4b: {  	[tilespmem:s7], [sflag:$0x1] =	stream.indirect.gather [hbm4b:s4+s10], $0x10, s3, s10, $0xb8;
	[tilespmem:$0xEC00] =	vst v63  }
0x4c: {  	_ = 	snop  }
0x4d: {  	[tilespmem:s2], [sflag:$0x1] =	stream.indirect.gather [hbm4b:s4+s10], $0x10, s1, s10, $0xb8;
	[tilespmem:$0xEC00] =	vst v63  }
0x4e: {  	_ = 	snop  }
0x4f: {  	[tilespmem:s13], [sflag:$0x1] =	stream.indirect.gather [hbm4b:s4+s10], $0x10, s12, s10, $0xb8;
	[tilespmem:$0xEC00] =	vst v63  }
0x50: {  	_ = 	snop  }
0x51: {  	[tilespmem:s15], [sflag:$0x1] =	stream.indirect.gather [hbm4b:s4+s10], $0x10, s14, s10, $0xb8;
	[tilespmem:$0xEC00] =	vst v63  }
0x52: {  	_ = 	snop  }
0x53: {  	[tilespmem:s17], [sflag:$0x1] =	stream.indirect.gather [hbm4b:s4+s10], $0x10, s16, s10, $0xb8;
	[tilespmem:$0xEC00] =	vst v63  }
0x54: {  	_ =	swait.ge [sflag:s18], $0x800  }
0x55: {  	[sflag:s18] =	ssyncset.done $0x0  }
0x56: {  	[sflag:s18] =	ssyncadd.s32 $0xFFFFF800  }
0x57: {  	_ =	swait.ge [sflag:s18], $0x800  }
0x58: {  	[sflag:s18] =	ssyncset.done $0x0  }
0x59: {  	[sflag:s18] =	ssyncadd.s32 $0xFFFFF800  }
0x5a: {  	_ =	swait.ge [sflag:s18], $0x800  }
0x5b: {  	[sflag:s18] =	ssyncset.done $0x0  }
0x5c: {  	[sflag:s18] =	ssyncadd.s32 $0xFFFFF800  }
0x5d: {  	_ =	swait.ge [sflag:s18], $0x800  }
0x5e: {  	[sflag:s18] =	ssyncset.done $0x0  }
0x5f: {  	[sflag:s18] =	ssyncadd.s32 $0xFFFFF800  }
0x60: {  	_ =	swait.ge [sflag:s18], $0x800  }
0x61: {  	[sflag:s18] =	ssyncset.done $0x0  }
0x62: {  	[sflag:s18] =	ssyncadd.s32 $0xFFFFF800  }
0x63: {  	_ =	swait.ge [sflag:s18], $0x800  }
0x64: {  	[sflag:s18] =	ssyncset.done $0x0  }
0x65: {  	[sflag:s18] =	ssyncadd.s32 $0xFFFFF800  }
0x66: {  	_ =	swait.ge [sflag:s18], $0x800  }
0x67: {  	[sflag:s18] =	ssyncset.done $0x0  }
0x68: {  	[sflag:s18] =	ssyncadd.s32 $0xFFFFF800  }
0x69: {  	_ =	swait.ge [sflag:s18], $0x800  }
0x6a: {  	[sflag:s18] =	ssyncset.done $0x0  }
0x6b: {  	[sflag:s18] =	ssyncadd.s32 $0xFFFFF800  }
0x6c: {  	_ =	swait.ge [sflag:s18], $0x800  }
0x6d: {  	[sflag:s18] =	ssyncset.done $0x0  }
0x6e: {  	[sflag:s18] =	ssyncadd.s32 $0xFFFFF800  }
0x6f: {  	_ =	swait.ge [sflag:s18], $0x800  }
0x70: {  	[sflag:s18] =	ssyncset.done $0x0  }
0x71: {  	[sflag:s18] =	ssyncadd.s32 $0xFFFFF800  }
0x72: {  	_ =	swait.ge [sflag:s18], $0x800  }
0x73: {  	[sflag:s18] =	ssyncset.done $0x0  }
0x74: {  	[sflag:s18] =	ssyncadd.s32 $0xFFFFF800  }
0x75: {  	_ =	swait.ge [sflag:s18], $0x800  }
0x76: {  	[sflag:s18] =	ssyncset.done $0x0  }
0x77: {  	[sflag:s18] =	ssyncadd.s32 $0xFFFFF800  }
0x78: {  	_ =	swait.ge [sflag:s18], $0x800  }
0x79: {  	[sflag:s18] =	ssyncset.done $0x0  }
0x7a: {  	[sflag:s18] =	ssyncadd.s32 $0xFFFFF800  }
0x7b: {  	_ =	swait.ge [sflag:s18], $0x800  }
0x7c: {  	[sflag:s18] =	ssyncset.done $0x0  }
0x7d: {  	[sflag:s18] =	ssyncadd.s32 $0xFFFFF800  }
0x7e: {  	_ =	swait.ge [sflag:s18], $0x800  }
0x7f: {  	[sflag:s18] =	ssyncset.done $0x0  }
0x80: {  	s29 =	simm.s32 $0x0;
	[sflag:s18] =	ssyncadd.s32 $0xFFFFF800  }
0x81: {  	s25 =	sand.u32 $0xE00, s29;
	_ =	swait.ge [sflag:s18], $0x800  }
0x82: {  	s26 =	sand.u32 $0x70, s29;
	s23 =	sshrl.u32 s25, $0x2;
	[sflag:s18] =	ssyncset.done $0x0  }
0x83: {  	s23 =	sor.u32 s26, s23;
	[sflag:s18] =	ssyncadd.s32 $0xFFFFF800  }
0x84: {  	v4 =	vld [tilespmem:s23+$0x0];
	_ =	sdelay $0x4  }
0x85: {  	v5 =	vor.u32 s29, v0;
	v6 =	vshll.u32 v4, $0x2  }
0x86: {  	v8 =	vshll.u32 v5, $0x5;
	v7 =	vand.u32 $0xC, v6  }
0x87: {  	v9 =	vor.u32 v8, v7;
	_ =	sdelay $0x4  }
0x88: {  	v10 =	vld.idx.msk [tilespmem:v9+s11+$0x0], $0xffff  }
0x89: {  	v5 =	vmul.u32 $0x18, v5;
	v11 =	vand.u32 $0x8, v6;
	v6 =	vand.u32 $0x4, v6  }
0x8a: {  	v12 =	vor.u32 v8, v11;
	v13 =	vor.u32 $0x1, v6  }
0x8b: {  	vm0 =	veq.s32 v4, $0x4;
	v4 =	vor.u32 v13, v12  }
0x8c: {  	v14 =	vsel vm0, $0x0, v3  }
0x8d: {  	v10 =	vmul.f32 v14, v10;
	_ =	sdelay $0x1  }
0x8e: {  	[tilespmem:v5+s19+$0x0] =	vst.idx.msk $0xffff, v10  }
0x8f: {  	v4 =	vld.idx.msk [tilespmem:v4+s11+$0x0], $0xffff;
	_ =	sdelay $0x1  }
0x90: {  	v15 =	vor.u32 $0x1, v5;
	v43 =	vor.u32 $0x2, v6  }
0x91: {  	v16 =	vor.u32 v43, v12;
	_ =	sdelay $0x1  }
0x92: {  	v4 =	vmul.f32 v4, v14;
	_ =	sdelay $0x1  }
0x93: {  	[tilespmem:v15+s19+$0x0] =	vst.idx.msk $0xffff, v4  }
0x94: {  	v4 =	vld.idx.msk [tilespmem:v16+s11+$0x0], $0xffff;
	_ =	sdelay $0x1  }
0x95: {  	v45 =	vor.u32 $0x2, v5;
	v44 =	vor.u32 $0x3, v6  }
0x96: {  	v12 =	vor.u32 v44, v12;
	_ =	sdelay $0x1  }
0x97: {  	v4 =	vmul.f32 v4, v14;
	_ =	sdelay $0x1  }
0x98: {  	[tilespmem:v45+s19+$0x0] =	vst.idx.msk $0xffff, v4  }
0x99: {  	v4 =	vld.idx.msk [tilespmem:v12+s11+$0x0], $0xffff;
	_ =	sdelay $0x1  }
0x9a: {  	v46 =	vor.u32 $0x3, v5  }
0x9b: {  	v47 =	vadd.s32 $0x4, v9;
	_ =	sdelay $0x1  }
0x9c: {  	v4 =	vmul.f32 v4, v14;
	_ =	sdelay $0x1  }
0x9d: {  	[tilespmem:v46+s19+$0x0] =	vst.idx.msk $0xffff, v4  }
0x9e: {  	v4 =	vld.idx.msk [tilespmem:v47+s11+$0x0], $0xffff;
	_ =	sdelay $0x1  }
0x9f: {  	v48 =	vor.u32 $0x4, v5  }
0xa0: {  	v49 =	vadd.s32 $0x5, v9;
	_ =	sdelay $0x1  }
0xa1: {  	v4 =	vmul.f32 v4, v14;
	_ =	sdelay $0x1  }
0xa2: {  	[tilespmem:v48+s19+$0x0] =	vst.idx.msk $0xffff, v4  }
0xa3: {  	v4 =	vld.idx.msk [tilespmem:v49+s11+$0x0], $0xffff;
	_ =	sdelay $0x1  }
0xa4: {  	v50 =	vor.u32 $0x5, v5  }
0xa5: {  	v51 =	vadd.s32 $0x6, v9;
	_ =	sdelay $0x1  }
0xa6: {  	v4 =	vmul.f32 v4, v14;
	_ =	sdelay $0x1  }
0xa7: {  	[tilespmem:v50+s19+$0x0] =	vst.idx.msk $0xffff, v4  }
0xa8: {  	v4 =	vld.idx.msk [tilespmem:v51+s11+$0x0], $0xffff;
	_ =	sdelay $0x1  }
0xa9: {  	v52 =	vor.u32 $0x6, v5  }
0xaa: {  	v53 =	vadd.s32 $0x7, v9;
	_ =	sdelay $0x1  }
0xab: {  	v4 =	vmul.f32 v4, v14;
	_ =	sdelay $0x1  }
0xac: {  	[tilespmem:v52+s19+$0x0] =	vst.idx.msk $0xffff, v4  }
0xad: {  	v4 =	vadd.s32 $0x8, v7;
	v12 =	vld.idx.msk [tilespmem:v53+s11+$0x0], $0xffff  }
0xae: {  	v4 =	vand.u32 $0x18, v4  }
0xaf: {  	v54 =	vor.u32 $0x7, v5;
	v4 =	vor.u32 v4, v8  }
0xb0: {  	v4 =	vor.u32 v6, v4;
	_ =	sdelay $0x1  }
0xb1: {  	v6 =	vmul.f32 v12, v14;
	_ =	sdelay $0x1  }
0xb2: {  	[tilespmem:v54+s19+$0x0] =	vst.idx.msk $0xffff, v6  }
0xb3: {  	v4 =	vld.idx.msk [tilespmem:v4+s11+$0x0], $0xffff;
	_ =	sdelay $0x1  }
0xb4: {  	v6 =	vadd.s32 $0x8, v5  }
0xb5: {  	v55 =	vadd.s32 $0x9, v9;
	_ =	sdelay $0x1  }
0xb6: {  	v4 =	vmul.f32 v4, v14;
	_ =	sdelay $0x1  }
0xb7: {  	[tilespmem:v6+s19+$0x0] =	vst.idx.msk $0xffff, v4  }
0xb8: {  	v4 =	vld.idx.msk [tilespmem:v55+s11+$0x0], $0xffff;
	_ =	sdelay $0x1  }
0xb9: {  	v6 =	vadd.s32 $0x9, v5  }
0xba: {  	v56 =	vadd.s32 $0xA, v9;
	_ =	sdelay $0x1  }
0xbb: {  	v4 =	vmul.f32 v4, v14;
	_ =	sdelay $0x1  }
0xbc: {  	[tilespmem:v6+s19+$0x0] =	vst.idx.msk $0xffff, v4  }
0xbd: {  	v4 =	vld.idx.msk [tilespmem:v56+s11+$0x0], $0xffff;
	_ =	sdelay $0x1  }
0xbe: {  	v6 =	vadd.s32 $0xA, v5  }
0xbf: {  	v57 =	vadd.s32 $0xB, v9;
	_ =	sdelay $0x1  }
0xc0: {  	v4 =	vmul.f32 v4, v14;
	_ =	sdelay $0x1  }
0xc1: {  	[tilespmem:v6+s19+$0x0] =	vst.idx.msk $0xffff, v4  }
0xc2: {  	v4 =	vld.idx.msk [tilespmem:v57+s11+$0x0], $0xffff;
	_ =	sdelay $0x1  }
0xc3: {  	v6 =	vadd.s32 $0xB, v5  }
0xc4: {  	v58 =	vadd.s32 $0xC, v9;
	_ =	sdelay $0x1  }
0xc5: {  	v4 =	vmul.f32 v4, v14;
	_ =	sdelay $0x1  }
0xc6: {  	[tilespmem:v6+s19+$0x0] =	vst.idx.msk $0xffff, v4  }
0xc7: {  	v4 =	vld.idx.msk [tilespmem:v58+s11+$0x0], $0xffff;
	_ =	sdelay $0x1  }
0xc8: {  	v6 =	vadd.s32 $0xC, v5  }
0xc9: {  	v59 =	vadd.s32 $0xD, v9;
	_ =	sdelay $0x1  }
0xca: {  	v4 =	vmul.f32 v4, v14;
	_ =	sdelay $0x1  }
0xcb: {  	[tilespmem:v6+s19+$0x0] =	vst.idx.msk $0xffff, v4  }
0xcc: {  	v4 =	vld.idx.msk [tilespmem:v59+s11+$0x0], $0xffff;
	_ =	sdelay $0x1  }
0xcd: {  	v6 =	vadd.s32 $0xD, v5  }
0xce: {  	v60 =	vadd.s32 $0xE, v9;
	_ =	sdelay $0x1  }
0xcf: {  	v4 =	vmul.f32 v4, v14;
	_ =	sdelay $0x1  }
0xd0: {  	[tilespmem:v6+s19+$0x0] =	vst.idx.msk $0xffff, v4  }
0xd1: {  	v4 =	vld.idx.msk [tilespmem:v60+s11+$0x0], $0xffff;
	_ =	sdelay $0x1  }
0xd2: {  	v6 =	vadd.s32 $0xE, v5  }
0xd3: {  	v9 =	vadd.s32 $0xF, v9;
	_ =	sdelay $0x1  }
0xd4: {  	v4 =	vmul.f32 v4, v14;
	_ =	sdelay $0x1  }
0xd5: {  	[tilespmem:v6+s19+$0x0] =	vst.idx.msk $0xffff, v4  }
0xd6: {  	v4 =	vld.idx.msk [tilespmem:v9+s11+$0x0], $0xffff;
	_ =	sdelay $0x1  }
0xd7: {  	v61 =	vadd.s32 $0xF, v5;
	v6 =	vor.u32 $0x10, v8  }
0xd8: {  	v7 =	vor.u32 v6, v7;
	_ =	sdelay $0x1  }
0xd9: {  	v4 =	vmul.f32 v4, v14;
	_ =	sdelay $0x1  }
0xda: {  	[tilespmem:v61+s19+$0x0] =	vst.idx.msk $0xffff, v4  }
0xdb: {  	v4 =	vld.idx.msk [tilespmem:v7+s11+$0x0], $0xffff;
	_ =	sdelay $0x1  }
0xdc: {  	v6 =	vor.u32 v6, v11;
	v7 =	vadd.s32 $0x10, v5  }
0xdd: {  	v62 =	vor.u32 v13, v6;
	_ =	sdelay $0x1  }
0xde: {  	v4 =	vmul.f32 v4, v14;
	_ =	sdelay $0x1  }
0xdf: {  	[tilespmem:v7+s19+$0x0] =	vst.idx.msk $0xffff, v4  }
0xe0: {  	v4 =	vld.idx.msk [tilespmem:v62+s11+$0x0], $0xffff;
	_ =	sdelay $0x1  }
0xe1: {  	v7 =	vadd.s32 $0x11, v5  }
0xe2: {  	v63 =	vor.u32 v43, v6;
	_ =	sdelay $0x1  }
0xe3: {  	v4 =	vmul.f32 v4, v14;
	_ =	sdelay $0x1  }
0xe4: {  	[tilespmem:v7+s19+$0x0] =	vst.idx.msk $0xffff, v4  }
0xe5: {  	v4 =	vld.idx.msk [tilespmem:v63+s11+$0x0], $0xffff;
	_ =	sdelay $0x1  }
0xe6: {  	v7 =	vadd.s32 $0x12, v5  }
0xe7: {  	v6 =	vor.u32 v44, v6;
	_ =	sdelay $0x1  }
0xe8: {  	v4 =	vmul.f32 v4, v14;
	_ =	sdelay $0x1  }
0xe9: {  	[tilespmem:v7+s19+$0x0] =	vst.idx.msk $0xffff, v4  }
0xea: {  	v4 =	vld.idx.msk [tilespmem:v6+s11+$0x0], $0xffff;
	_ =	sdelay $0x2  }
0xeb: {  	s28 =	simm.s32 $0x40;
	v5 =	vadd.s32 $0x13, v5  }
0xec: {  	s22 =	simm.s32 $0x10;
	s29 =	sand.u32 $0xE00, s28  }
0xed: {  	s24 =	sand.u32 $0x70, s22;
	s25 =	sshrl.u32 s29, $0x2;
	s23 =	simm.s32 $0x80;
	v4 =	vmul.f32 v4, v14  }
.LBB2_5:
0xee: {  	p0 =	sne.s32 s23, $0xFC0  }
0xef: {  	s25 =	sor.u32 s24, s25;
	s24 =	smov.u32 s23;
	s23 =	sadd.s32 $0x40, s23  }
0xf0: {  	[tilespmem:v5+s19+$0x0] =	vst.idx.msk $0xffff, v4  }
0xf1: {  	v4 =	vld [tilespmem:s25+$0x0];
	_ =	sdelay $0x3  }
0xf2: {  	v5 =	vor.u32 s22, v0  }
0xf3: {  	v6 =	vshll.u32 v4, $0x2  }
0xf4: {  	v8 =	vshll.u32 v5, $0x5;
	v7 =	vand.u32 $0xC, v6;
	v11 =	vand.u32 $0x8, v6  }
0xf5: {  	v6 =	vand.u32 $0x4, v6;
	v10 =	vor.u32 v8, v7;
	v12 =	vor.u32 v8, v11  }
0xf6: {  	v13 =	vor.u32 $0x1, v6;
	v14 =	vor.u32 $0x2, v6;
	v15 =	vor.u32 $0x3, v6  }
0xf7: {  	v9 =	vadd.s32 $0x8, v7;
	v16 =	vor.u32 v14, v12;
	v17 =	vor.u32 v15, v12  }
0xf8: {  	v18 =	vor.u32 $0x10, v8;
	v9 =	vand.u32 $0x18, v9  }
0xf9: {  	v11 =	vor.u32 v18, v11;
	v8 =	vor.u32 v9, v8;
	v9 =	vor.u32 v18, v7  }
0xfa: {  	v7 =	vor.u32 v14, v11;
	v19 =	vor.u32 v6, v8;
	v8 =	vor.u32 v13, v11;
	v18 =	vld.idx.msk [tilespmem:v10+s11+$0x0], $0xffff  }
0xfb: {  	v5 =	vmul.u32 $0x18, v5;
	v6 =	vor.u32 v15, v11;
	_ =	sdelay $0x1  }
0xfc: {  	vm0 =	veq.s32 v4, $0x4;
	v11 =	vor.u32 v13, v12  }
0xfd: {  	v4 =	vsel vm0, $0x0, v3;
	_ =	sdelay $0x1  }
0xfe: {  	v12 =	vmul.f32 v4, v18;
	_ =	sdelay $0x1  }
0xff: {  	[tilespmem:v5+s19+$0x0] =	vst.idx.msk $0xffff, v12  }
0x100: {  	v11 =	vld.idx.msk [tilespmem:v11+s11+$0x0], $0xffff;
	_ =	sdelay $0x1  }
0x101: {  	v12 =	vor.u32 $0x1, v5;
	_ =	sdelay $0x3  }
0x102: {  	v11 =	vmul.f32 v11, v4;
	_ =	sdelay $0x1  }
0x103: {  	[tilespmem:v12+s19+$0x0] =	vst.idx.msk $0xffff, v11  }
0x104: {  	v11 =	vld.idx.msk [tilespmem:v16+s11+$0x0], $0xffff;
	_ =	sdelay $0x1  }
0x105: {  	v12 =	vor.u32 $0x2, v5;
	_ =	sdelay $0x3  }
0x106: {  	v11 =	vmul.f32 v11, v4;
	_ =	sdelay $0x1  }
0x107: {  	[tilespmem:v12+s19+$0x0] =	vst.idx.msk $0xffff, v11  }
0x108: {  	v11 =	vld.idx.msk [tilespmem:v17+s11+$0x0], $0xffff;
	_ =	sdelay $0x1  }
0x109: {  	v12 =	vor.u32 $0x3, v5  }
0x10a: {  	v13 =	vadd.s32 $0x4, v10;
	_ =	sdelay $0x2  }
0x10b: {  	v11 =	vmul.f32 v11, v4;
	_ =	sdelay $0x1  }
0x10c: {  	[tilespmem:v12+s19+$0x0] =	vst.idx.msk $0xffff, v11  }
0x10d: {  	v11 =	vld.idx.msk [tilespmem:v13+s11+$0x0], $0xffff;
	_ =	sdelay $0x1  }
0x10e: {  	v12 =	vor.u32 $0x4, v5  }
0x10f: {  	v13 =	vadd.s32 $0x5, v10;
	_ =	sdelay $0x2  }
0x110: {  	v11 =	vmul.f32 v11, v4;
	_ =	sdelay $0x1  }
0x111: {  	[tilespmem:v12+s19+$0x0] =	vst.idx.msk $0xffff, v11  }
0x112: {  	v11 =	vld.idx.msk [tilespmem:v13+s11+$0x0], $0xffff;
	_ =	sdelay $0x1  }
0x113: {  	v12 =	vor.u32 $0x5, v5  }
0x114: {  	v13 =	vadd.s32 $0x6, v10;
	_ =	sdelay $0x2  }
0x115: {  	v11 =	vmul.f32 v11, v4;
	_ =	sdelay $0x1  }
0x116: {  	[tilespmem:v12+s19+$0x0] =	vst.idx.msk $0xffff, v11  }
0x117: {  	v11 =	vld.idx.msk [tilespmem:v13+s11+$0x0], $0xffff;
	_ =	sdelay $0x1  }
0x118: {  	v12 =	vor.u32 $0x6, v5  }
0x119: {  	v13 =	vadd.s32 $0x7, v10;
	_ =	sdelay $0x2  }
0x11a: {  	v11 =	vmul.f32 v11, v4;
	_ =	sdelay $0x1  }
0x11b: {  	[tilespmem:v12+s19+$0x0] =	vst.idx.msk $0xffff, v11  }
0x11c: {  	v11 =	vld.idx.msk [tilespmem:v13+s11+$0x0], $0xffff;
	_ =	sdelay $0x1  }
0x11d: {  	v12 =	vor.u32 $0x7, v5;
	_ =	sdelay $0x3  }
0x11e: {  	v11 =	vmul.f32 v11, v4;
	_ =	sdelay $0x1  }
0x11f: {  	[tilespmem:v12+s19+$0x0] =	vst.idx.msk $0xffff, v11  }
0x120: {  	v11 =	vld.idx.msk [tilespmem:v19+s11+$0x0], $0xffff;
	_ =	sdelay $0x1  }
0x121: {  	v12 =	vadd.s32 $0x8, v5  }
0x122: {  	v13 =	vadd.s32 $0x9, v10;
	_ =	sdelay $0x2  }
0x123: {  	v11 =	vmul.f32 v11, v4;
	_ =	sdelay $0x1  }
0x124: {  	[tilespmem:v12+s19+$0x0] =	vst.idx.msk $0xffff, v11  }
0x125: {  	v11 =	vld.idx.msk [tilespmem:v13+s11+$0x0], $0xffff;
	_ =	sdelay $0x1  }
0x126: {  	v12 =	vadd.s32 $0x9, v5  }
0x127: {  	v13 =	vadd.s32 $0xA, v10;
	_ =	sdelay $0x2  }
0x128: {  	v11 =	vmul.f32 v11, v4;
	_ =	sdelay $0x1  }
0x129: {  	[tilespmem:v12+s19+$0x0] =	vst.idx.msk $0xffff, v11  }
0x12a: {  	v11 =	vld.idx.msk [tilespmem:v13+s11+$0x0], $0xffff;
	_ =	sdelay $0x1  }
0x12b: {  	v12 =	vadd.s32 $0xA, v5  }
0x12c: {  	v13 =	vadd.s32 $0xB, v10;
	_ =	sdelay $0x2  }
0x12d: {  	v11 =	vmul.f32 v11, v4;
	_ =	sdelay $0x1  }
0x12e: {  	[tilespmem:v12+s19+$0x0] =	vst.idx.msk $0xffff, v11  }
0x12f: {  	v11 =	vld.idx.msk [tilespmem:v13+s11+$0x0], $0xffff;
	_ =	sdelay $0x1  }
0x130: {  	v12 =	vadd.s32 $0xB, v5  }
0x131: {  	v13 =	vadd.s32 $0xC, v10;
	_ =	sdelay $0x2  }
0x132: {  	v11 =	vmul.f32 v11, v4;
	_ =	sdelay $0x1  }
0x133: {  	[tilespmem:v12+s19+$0x0] =	vst.idx.msk $0xffff, v11  }
0x134: {  	v11 =	vld.idx.msk [tilespmem:v13+s11+$0x0], $0xffff;
	_ =	sdelay $0x1  }
0x135: {  	v12 =	vadd.s32 $0xC, v5  }
0x136: {  	v13 =	vadd.s32 $0xD, v10;
	_ =	sdelay $0x2  }
0x137: {  	v11 =	vmul.f32 v11, v4;
	_ =	sdelay $0x1  }
0x138: {  	[tilespmem:v12+s19+$0x0] =	vst.idx.msk $0xffff, v11  }
0x139: {  	v11 =	vld.idx.msk [tilespmem:v13+s11+$0x0], $0xffff;
	_ =	sdelay $0x1  }
0x13a: {  	v12 =	vadd.s32 $0xD, v5  }
0x13b: {  	v13 =	vadd.s32 $0xE, v10;
	_ =	sdelay $0x2  }
0x13c: {  	v11 =	vmul.f32 v11, v4;
	_ =	sdelay $0x1  }
0x13d: {  	[tilespmem:v12+s19+$0x0] =	vst.idx.msk $0xffff, v11  }
0x13e: {  	v11 =	vld.idx.msk [tilespmem:v13+s11+$0x0], $0xffff;
	_ =	sdelay $0x1  }
0x13f: {  	v12 =	vadd.s32 $0xE, v5  }
0x140: {  	v10 =	vadd.s32 $0xF, v10;
	_ =	sdelay $0x2  }
0x141: {  	v11 =	vmul.f32 v11, v4;
	_ =	sdelay $0x1  }
0x142: {  	[tilespmem:v12+s19+$0x0] =	vst.idx.msk $0xffff, v11  }
0x143: {  	v10 =	vld.idx.msk [tilespmem:v10+s11+$0x0], $0xffff;
	_ =	sdelay $0x1  }
0x144: {  	v11 =	vadd.s32 $0xF, v5;
	_ =	sdelay $0x3  }
0x145: {  	v10 =	vmul.f32 v10, v4;
	_ =	sdelay $0x1  }
0x146: {  	[tilespmem:v11+s19+$0x0] =	vst.idx.msk $0xffff, v10  }
0x147: {  	v9 =	vld.idx.msk [tilespmem:v9+s11+$0x0], $0xffff;
	_ =	sdelay $0x1  }
0x148: {  	v10 =	vadd.s32 $0x10, v5;
	_ =	sdelay $0x3  }
0x149: {  	v9 =	vmul.f32 v9, v4;
	_ =	sdelay $0x1  }
0x14a: {  	[tilespmem:v10+s19+$0x0] =	vst.idx.msk $0xffff, v9  }
0x14b: {  	v8 =	vld.idx.msk [tilespmem:v8+s11+$0x0], $0xffff;
	_ =	sdelay $0x1  }
0x14c: {  	v9 =	vadd.s32 $0x11, v5;
	_ =	sdelay $0x3  }
0x14d: {  	v8 =	vmul.f32 v8, v4;
	_ =	sdelay $0x1  }
0x14e: {  	[tilespmem:v9+s19+$0x0] =	vst.idx.msk $0xffff, v8  }
0x14f: {  	v7 =	vld.idx.msk [tilespmem:v7+s11+$0x0], $0xffff;
	_ =	sdelay $0x1  }
0x150: {  	v8 =	vadd.s32 $0x12, v5;
	_ =	sdelay $0x3  }
0x151: {  	v7 =	vmul.f32 v7, v4;
	_ =	sdelay $0x1  }
0x152: {  	[tilespmem:v8+s19+$0x0] =	vst.idx.msk $0xffff, v7  }
0x153: {  	v6 =	vld.idx.msk [tilespmem:v6+s11+$0x0], $0xffff;
	_ =	sdelay $0x1  }
.Ltmp1:
0x154: {  	v5 =	vadd.s32 $0x13, v5;
	(pc) =	sbr.rel @p0 .LBB2_5-.Ltmp1, $3  }
0x155: {  	_ =	sdelay $0x1  }
0x156: {  	s22 =	sadd.s32 $0x10, s22;
	s25 =	sand.u32 $0xE00, s24  }
0x157: {  	s24 =	sand.u32 $0x70, s22;
	s25 =	sshrl.u32 s25, $0x2;
	v4 =	vmul.f32 v6, v4  }
0x158: {  	_ =	sdelay $0x3  }
0x159: {  	s23 =	sor.u32 s24, s25;
	[tilespmem:v5+s19+$0x0] =	vst.idx.msk $0xffff, v4  }
0x15a: {  	v4 =	vld [tilespmem:s23+$0x0];
	_ =	sdelay $0x4  }
0x15b: {  	v5 =	vor.u32 s22, v0;
	v6 =	vshll.u32 v4, $0x2  }
0x15c: {  	v8 =	vshll.u32 v5, $0x5;
	v7 =	vand.u32 $0xC, v6  }
0x15d: {  	v9 =	vor.u32 v8, v7;
	_ =	sdelay $0x4  }
0x15e: {  	v10 =	vld.idx.msk [tilespmem:v9+s11+$0x0], $0xffff  }
0x15f: {  	v5 =	vmul.u32 $0x18, v5;
	v11 =	vand.u32 $0x8, v6;
	v6 =	vand.u32 $0x4, v6  }
0x160: {  	v12 =	vor.u32 v8, v11;
	v13 =	vor.u32 $0x1, v6  }
0x161: {  	vm0 =	veq.s32 v4, $0x4;
	v4 =	vor.u32 v13, v12  }
0x162: {  	v14 =	vsel vm0, $0x0, v3  }
0x163: {  	v10 =	vmul.f32 v14, v10;
	_ =	sdelay $0x1  }
0x164: {  	[tilespmem:v5+s19+$0x0] =	vst.idx.msk $0xffff, v10  }
0x165: {  	v4 =	vld.idx.msk [tilespmem:v4+s11+$0x0], $0xffff;
	_ =	sdelay $0x1  }
0x166: {  	v15 =	vor.u32 $0x1, v5;
	v31 =	vor.u32 $0x2, v6  }
0x167: {  	v16 =	vor.u32 v31, v12;
	_ =	sdelay $0x1  }
0x168: {  	v4 =	vmul.f32 v4, v14;
	_ =	sdelay $0x1  }
0x169: {  	[tilespmem:v15+s19+$0x0] =	vst.idx.msk $0xffff, v4  }
0x16a: {  	v4 =	vld.idx.msk [tilespmem:v16+s11+$0x0], $0xffff;
	_ =	sdelay $0x1  }
0x16b: {  	v33 =	vor.u32 $0x2, v5;
	v32 =	vor.u32 $0x3, v6  }
0x16c: {  	v12 =	vor.u32 v32, v12;
	_ =	sdelay $0x1  }
0x16d: {  	v4 =	vmul.f32 v4, v14;
	_ =	sdelay $0x1  }
0x16e: {  	[tilespmem:v33+s19+$0x0] =	vst.idx.msk $0xffff, v4  }
0x16f: {  	v4 =	vld.idx.msk [tilespmem:v12+s11+$0x0], $0xffff;
	_ =	sdelay $0x1  }
0x170: {  	v34 =	vor.u32 $0x3, v5  }
0x171: {  	v35 =	vadd.s32 $0x4, v9;
	_ =	sdelay $0x1  }
0x172: {  	v4 =	vmul.f32 v4, v14;
	_ =	sdelay $0x1  }
0x173: {  	[tilespmem:v34+s19+$0x0] =	vst.idx.msk $0xffff, v4  }
0x174: {  	v4 =	vld.idx.msk [tilespmem:v35+s11+$0x0], $0xffff;
	_ =	sdelay $0x1  }
0x175: {  	v36 =	vor.u32 $0x4, v5  }
0x176: {  	v37 =	vadd.s32 $0x5, v9;
	_ =	sdelay $0x1  }
0x177: {  	v4 =	vmul.f32 v4, v14;
	_ =	sdelay $0x1  }
0x178: {  	[tilespmem:v36+s19+$0x0] =	vst.idx.msk $0xffff, v4  }
0x179: {  	v4 =	vld.idx.msk [tilespmem:v37+s11+$0x0], $0xffff;
	_ =	sdelay $0x1  }
0x17a: {  	v38 =	vor.u32 $0x5, v5  }
0x17b: {  	v39 =	vadd.s32 $0x6, v9;
	_ =	sdelay $0x1  }
0x17c: {  	v4 =	vmul.f32 v4, v14;
	_ =	sdelay $0x1  }
0x17d: {  	[tilespmem:v38+s19+$0x0] =	vst.idx.msk $0xffff, v4  }
0x17e: {  	v4 =	vld.idx.msk [tilespmem:v39+s11+$0x0], $0xffff;
	_ =	sdelay $0x1  }
0x17f: {  	v40 =	vor.u32 $0x6, v5  }
0x180: {  	v41 =	vadd.s32 $0x7, v9;
	_ =	sdelay $0x1  }
0x181: {  	v4 =	vmul.f32 v4, v14;
	_ =	sdelay $0x1  }
0x182: {  	[tilespmem:v40+s19+$0x0] =	vst.idx.msk $0xffff, v4  }
0x183: {  	v4 =	vadd.s32 $0x8, v7;
	v12 =	vld.idx.msk [tilespmem:v41+s11+$0x0], $0xffff  }
0x184: {  	v4 =	vand.u32 $0x18, v4  }
0x185: {  	v42 =	vor.u32 $0x7, v5;
	v4 =	vor.u32 v4, v8  }
0x186: {  	v4 =	vor.u32 v6, v4;
	_ =	sdelay $0x1  }
0x187: {  	v43 =	vmul.f32 v12, v14;
	_ =	sdelay $0x1  }
0x188: {  	[tilespmem:v42+s19+$0x0] =	vst.idx.msk $0xffff, v43  }
0x189: {  	v4 =	vld.idx.msk [tilespmem:v4+s11+$0x0], $0xffff;
	_ =	sdelay $0x1  }
0x18a: {  	v44 =	vadd.s32 $0x8, v5  }
0x18b: {  	v45 =	vadd.s32 $0x9, v9;
	_ =	sdelay $0x1  }
0x18c: {  	v4 =	vmul.f32 v4, v14;
	_ =	sdelay $0x1  }
0x18d: {  	[tilespmem:v44+s19+$0x0] =	vst.idx.msk $0xffff, v4  }
0x18e: {  	v4 =	vld.idx.msk [tilespmem:v45+s11+$0x0], $0xffff;
	_ =	sdelay $0x1  }
0x18f: {  	v46 =	vadd.s32 $0x9, v5  }
0x190: {  	v47 =	vadd.s32 $0xA, v9;
	_ =	sdelay $0x1  }
0x191: {  	v4 =	vmul.f32 v4, v14;
	_ =	sdelay $0x1  }
0x192: {  	[tilespmem:v46+s19+$0x0] =	vst.idx.msk $0xffff, v4  }
0x193: {  	v4 =	vld.idx.msk [tilespmem:v47+s11+$0x0], $0xffff;
	_ =	sdelay $0x1  }
0x194: {  	v48 =	vadd.s32 $0xA, v5  }
0x195: {  	v49 =	vadd.s32 $0xB, v9;
	_ =	sdelay $0x1  }
0x196: {  	v4 =	vmul.f32 v4, v14;
	_ =	sdelay $0x1  }
0x197: {  	[tilespmem:v48+s19+$0x0] =	vst.idx.msk $0xffff, v4  }
0x198: {  	v4 =	vld.idx.msk [tilespmem:v49+s11+$0x0], $0xffff;
	_ =	sdelay $0x1  }
0x199: {  	v50 =	vadd.s32 $0xB, v5  }
0x19a: {  	v51 =	vadd.s32 $0xC, v9;
	_ =	sdelay $0x1  }
0x19b: {  	v4 =	vmul.f32 v4, v14;
	_ =	sdelay $0x1  }
0x19c: {  	[tilespmem:v50+s19+$0x0] =	vst.idx.msk $0xffff, v4  }
0x19d: {  	v4 =	vld.idx.msk [tilespmem:v51+s11+$0x0], $0xffff;
	_ =	sdelay $0x1  }
0x19e: {  	v52 =	vadd.s32 $0xC, v5  }
0x19f: {  	v53 =	vadd.s32 $0xD, v9;
	_ =	sdelay $0x1  }
0x1a0: {  	v4 =	vmul.f32 v4, v14;
	_ =	sdelay $0x1  }
0x1a1: {  	[tilespmem:v52+s19+$0x0] =	vst.idx.msk $0xffff, v4  }
0x1a2: {  	v4 =	vld.idx.msk [tilespmem:v53+s11+$0x0], $0xffff;
	_ =	sdelay $0x1  }
0x1a3: {  	v54 =	vadd.s32 $0xD, v5  }
0x1a4: {  	v55 =	vadd.s32 $0xE, v9;
	_ =	sdelay $0x1  }
0x1a5: {  	v4 =	vmul.f32 v4, v14;
	_ =	sdelay $0x1  }
0x1a6: {  	[tilespmem:v54+s19+$0x0] =	vst.idx.msk $0xffff, v4  }
0x1a7: {  	v4 =	vld.idx.msk [tilespmem:v55+s11+$0x0], $0xffff;
	_ =	sdelay $0x1  }
0x1a8: {  	v56 =	vadd.s32 $0xE, v5  }
0x1a9: {  	v9 =	vadd.s32 $0xF, v9;
	_ =	sdelay $0x1  }
0x1aa: {  	v4 =	vmul.f32 v4, v14;
	_ =	sdelay $0x1  }
0x1ab: {  	[tilespmem:v56+s19+$0x0] =	vst.idx.msk $0xffff, v4  }
0x1ac: {  	v4 =	vld.idx.msk [tilespmem:v9+s11+$0x0], $0xffff;
	_ =	sdelay $0x1  }
0x1ad: {  	v57 =	vor.u32 $0x10, v8;
	v58 =	vadd.s32 $0xF, v5  }
0x1ae: {  	v7 =	vor.u32 v57, v7;
	_ =	sdelay $0x1  }
0x1af: {  	v4 =	vmul.f32 v4, v14;
	_ =	sdelay $0x1  }
0x1b0: {  	[tilespmem:v58+s19+$0x0] =	vst.idx.msk $0xffff, v4  }
0x1b1: {  	v4 =	vld.idx.msk [tilespmem:v7+s11+$0x0], $0xffff;
	_ =	sdelay $0x1  }
0x1b2: {  	v59 =	vadd.s32 $0x10, v5;
	v6 =	vor.u32 v57, v11  }
0x1b3: {  	v60 =	vor.u32 v13, v6;
	_ =	sdelay $0x1  }
0x1b4: {  	v4 =	vmul.f32 v4, v14;
	_ =	sdelay $0x1  }
0x1b5: {  	[tilespmem:v59+s19+$0x0] =	vst.idx.msk $0xffff, v4  }
0x1b6: {  	v4 =	vld.idx.msk [tilespmem:v60+s11+$0x0], $0xffff;
	_ =	sdelay $0x1  }
0x1b7: {  	v61 =	vadd.s32 $0x11, v5  }
0x1b8: {  	v62 =	vor.u32 v31, v6;
	_ =	sdelay $0x1  }
0x1b9: {  	v4 =	vmul.f32 v4, v14;
	_ =	sdelay $0x1  }
0x1ba: {  	[tilespmem:v61+s19+$0x0] =	vst.idx.msk $0xffff, v4  }
0x1bb: {  	v4 =	vld.idx.msk [tilespmem:v62+s11+$0x0], $0xffff;
	_ =	sdelay $0x1  }
0x1bc: {  	v63 =	vadd.s32 $0x12, v5  }
0x1bd: {  	v6 =	vor.u32 v32, v6;
	_ =	sdelay $0x1  }
0x1be: {  	v4 =	vmul.f32 v4, v14;
	_ =	sdelay $0x1  }
0x1bf: {  	[tilespmem:v63+s19+$0x0] =	vst.idx.msk $0xffff, v4  }
0x1c0: {  	v4 =	vld.idx.msk [tilespmem:v6+s11+$0x0], $0xffff;
	_ =	sdelay $0x1  }
0x1c1: {  	v5 =	vadd.s32 $0x13, v5;
	_ =	sdelay $0x2  }
0x1c2: {  	s21 =	smul.u32 $0x3, s21;
	s20 =	sadd.s32 $0x1, s20;
	v4 =	vmul.f32 v4, v14  }
0x1c3: {  	p0 =	sne.s32 s20, $0xF  }
.Ltmp2:
0x1c4: {  	s29 =	simm.s32 $0x0;
	s21 =	sadd.s32 s5, s21;
	[tilespmem:v5+s19+$0x0] =	vst.idx.msk $0xffff, v4;
	(pc) =	sbr.rel @p0 .LBB2_2-.Ltmp2, $4  }
0x1c5: {  	[hbm4b:s21+s29] =	stream.linear.scatter [tilespmem:s19], [sflag:$0x2], $0x6000, $0x38;
	[tilespmem:$0xEC00] =	vst v63  }
0x1c6: {  	_ =	swait.ge [sflag:s8], $0x6000  }
0x1c7: {  	[sflag:s8] =	ssyncset.done $0x0  }
0x1c8: {  	[sflag:s8] =	ssyncadd.s32 $0xFFFFA000  }
0x1c9: {  	s21 =	rddreg [dreg:$0x4]  }
0x1ca: {  	s20 =	rddreg [dreg:$0x3];
	s21 =	sadd.s32 $0x1, s21  }
0x1cb: {  	p0 =	sne.s32 s21, s20  }
.Ltmp3:
0x1cc: {  	_ = 	snop;
	(pc) =	sbr.rel @p0 .LBB2_1-.Ltmp3, $1  }
0x1cd: {  	_ =	sdelay $0x3  }
0x1ce: {  	_ =	sfence.sel $0x180000  }
0x1cf: {  	[bflag:$0x0] =	sbarrier.arrive $0xFFFF  }
0x1d0: {  	_ =	strace $0x90000047  }
0x1d1: {  	s0 =	stileid.u32;
	[bflag:$0x2] =	sbarrier.arrive $0xFFFF  }
0x1d2: {  	p0 =	sne.s32 s0, $0x0;
	s0 =	rddreg [dreg:$0x2]  }
0x1d3: {  	s0 =	sadd.s32 @!p0 $0x100000, s0  }
0x1d4: {  	[sflag:s0] =	ssyncadd.tile.s32 @!p0 $0x1;
	_ =	shalt  }
.Lfunc_end2:
_tile_overlayer_lowered:
.L_overlay_start_2:
0x1d5: {  	(tag) =	ssettag $0x2  }
0x1d6: {  	s0 =	rddreg [dreg:$0x0];
	s2 =	stileid.u32  }
0x1d7: {  	s1 =	rddreg [dreg:$0x1];
	p0 =	sne.s32 s2, $0x0  }
0x1d8: {  	s3 =	rddreg [dreg:$0x2];
	[bflag:$0x3] =	sbarrier.arrive $0xFFFF;
	s2 =	simm.s32 @!p0 $0x1C02  }
0x1d9: {  	[timem:s3], [sflag:s2] =	dma.local @!p0 [hbm:s0], s1  }
0x1da: {  	s0 =	simm.s32 @!p0 $0x2  }
0x1db: {  	_ =	swait.ge @!p0 [sflag:s0], s1  }
0x1dc: {  	s1 =	ssub.s32 @!p0 $0x0, s1;
	[sflag:s0] =	ssyncset.done @!p0 $0x0  }
0x1dd: {  	[sflag:s0] =	ssyncadd.s32 @!p0 s1  }
0x1de: {  	[bflag:$0x3] =	sbarrier.arrive $0xFFFF  }
0x1df: {  	_ =	shalt  }

// kernel: sparse-core-data-format-call.1.cloned.1.call-start
scs
called_computation.1_lowered:
.L_overlay_start_0:
0x0: {  	s1 =	sld [smem:$0x3FD9]  }
0x1: {  	s2 =	sld [smem:$0x3FFE];
	_ =	sdelay $0x1  }
0x2: {  	s3 =	srdreg.scid  }
0x3: {  	s0 =	sand.u32 $0x1, s3  }
0x4: {  	s17 =	sshll.u32 s0, $0xA;
	s1 =	sadd.s32 s2, s1  }
0x5: {  	s1 =	sadd.s32 s1, s17  }
0x6: {  	[smem:$0x3FC6] =	sst s1  }
0x7: {  	_ = 	snop  }
0x8: {  	(tm) =	ssettm $0x1  }
0x9: {  	s18 =	sld [smem:$0x3FFB];
	_ =	sdelay $0x3  }
0xa: {  	_ =	strace s18  }
0xb: {  	s1 =	sld [smem:$0x3FFC];
	_ =	sdelay $0x3  }
0xc: {  	_ =	strace s1  }
0xd: {  	s1 =	sld [smem:$0x3FFD];
	_ =	sdelay $0x3  }
0xe: {  	_ =	strace s1  }
0xf: {  	_ =	strace $0x8FFFFFFF  }
0x10: {  	s19 =	sld [smem:$0x3FDB];
	_ =	sdelay $0x1  }
0x11: {  	s20 =	simm.s32 $_scs_section_size  }
0x12: {  	s4 =	simm.s32 $_size__tile_overlayer_lowered;
	s5 =	simm.s32 $_tile_overlayer_lowered  }
0x13: {  	s23 =	simm.s32 $0x1BFF;
	s22 =	sshll.u32 s5, $0x1;
	s1 =	sadd.s32 s20, s19  }
0x14: {  	s6 =	simm.s32 $0x0;
	s21 =	sshll.u32 s4, $0x1;
	s4 =	sadd.s32 s22, s1  }
0x15: {  	[timem:s6], [sflag:s23] =	dma.local [hbm:s4], s21  }
0x16: {  	_ =	swait.ge [sflag:s23], s21  }
0x17: {  	s2 =	ssub.s32 $0x0, s21;
	[sflag:s23] =	ssyncset.done $0x0  }
0x18: {  	[sflag:s23] =	ssyncadd.s32 s2;
	_ =	sdelay $0x1  }
0x19: {  	s24 =	simm.s32 $0x1B8B  }
0x1a: {  	_ =	swait.ge [sflag:s24], $0x1  }
0x1b: {  	[sflag:s24] =	ssyncset.done $0x0  }
0x1c: {  	s26 =	simm.s32 $0x1B8E;
	s25 =	sld [smem:$0x3FFE];
	[sflag:s24] =	ssyncadd.s32 $0xFFFFFFFF  }
0x1d: {  	s27 =	simm.s32 $execute0_lowered;
	[smem:$0x3FD2] =	sst s26  }
0x1e: {  	s4 =	sshll.u32 s27, $0x1;
	_ =	strace $0x80000049;
	[dreg:$0x1] =	wrdreg $0xFFFFFFFF  }
0x1f: {  	s28 =	simm.s32 $_size_execute0_lowered;
	s1 =	sadd.s32 s1, s4;
	[dreg:$0x0] =	wrdreg $0x0  }
0x20: {  	s4 =	sshll.u32 s28, $0x1;
	[dreg:$0x2] =	wrdreg s1  }
0x21: {  	[dreg:$0x3] =	wrdreg s4  }
0x22: {  	[dreg:$0x4] =	wrdreg $0xC0  }
0x23: {  	_ =	task [dreg:s6], $0x5FFFF  }
0x24: {  	[dreg:$0x1] =	wrdreg $0xFFFFFFFF  }
0x25: {  	[dreg:$0x0] =	wrdreg $0x60  }
0x26: {  	[dreg:$0x2] =	wrdreg s25  }
0x27: {  	[dreg:$0x3] =	wrdreg $0x9  }
0x28: {  	_ =	task.clear_ibuf [dreg:s6], $0x4FFFF;
	_ =	strace $0x90000049  }
0x29: {  	s29 =	simm.s32 $0x9;
	_ =	strace $0x8000004B  }
0x2a: {  	_ =	swait.ge [sflag:s29], $0x1  }
0x2b: {  	[sflag:s29] =	ssyncadd.s32 $0xFFFFFFFF  }
0x2c: {  	_ =	strace $0x9000004B  }
0x2d: {  	_ =	sfence  }
0x2e: {  	s30 =	sld [smem:$0x0];
	_ =	sdelay $0x2  }
0x2f: {  	s31 =	sshll.u32 s3, $0xD;
	s3 =	sshrl.u32 s3, $0x2  }
0x30: {  	s2 =	sand.u32 $0x4000, s31;
	s1 =	sadd.s32 s3, s30  }
0x31: {  	s0 =	sor.u32 s2, s0;
	s1 =	sshll.u32 s1, $0x11  }
0x32: {  	s0 =	sor.u32 s1, s0  }
0x33: {  	s0 =	sadd.s32 $0x8F2B, s0  }
0x34: {  	[sflag:s0] =	ssyncadd.remote.s32 $0x1  }
0x35: {  	_ =	sfence.sel $0xFFFF  }
0x36: {  	[dreg:$0x0] =	wrdreg $0xFFFFFFFF;
	(pc) =	sbr.abs _section_cstart, $3  }
0x37: {  	[dreg:$0x1] =	wrdreg $0xFFFFFFFF  }
0x38: {  	_ =	task.clear_ibuf [dreg:s6], $0x2FFFF;
	_ =	strace $0x9FFFFFFF  }
0x39: {  	(tm) =	ssettm $0x7FFFFFFF  }
tec
execute0_lowered:
.L_overlay_start_1:
0x0: {  	(tag) =	ssettag $0x1  }
0x1: {  	s0 =	srdreg.scid  }
0x2: {  	s1 =	sshll.u32 s0, $0x4  }
0x3: {  	s0 =	stileid.u32;
	s1 =	sand.u32 $0x10, s1  }
0x4: {  	s1 =	sor.u32 s0, s1  }
0x5: {  	s6 =	rddreg [dreg:$0x0];
	s2 =	sshll.u32 s1, $0x7  }
0x6: {  	s4 =	simm.s32 $0x1;
	s7 =	simm.s32 $0x2;
	s3 =	ssub.s32 $0x78000, s2  }
0x7: {  	s11 =	simm.s32 $0x0;
	s12 =	simm.s32 $0x0;
	s31 =	sand.u32 $0xF80, s3  }
0x8: {  	s8 =	simm.s32 $0x0;
	s1 =	rddreg [dreg:$0x1];
	p0 =	sne.s32 s31, $0x0  }
.Ltmp0:
0x9: {  	s5 =	sshrl.u32 s3, $0xC;
	s4 =	simm.s32 @!p0 $0x0;
	(pc) =	sbr.rel .LBB1_1-.Ltmp0, $4  }
0xa: {  	_ =	strace $0x8000004A;
	s3 =	simm.s32 $0x1;
	s4 =	sadd.s32 s4, s5  }
0xb: {  	s10 =	simm.s32 $0x0;
	[sflag:s3] =	ssyncpa.u1 $0x0;
	s4 =	smul.u32 $0x3, s4  }
0xc: {  	s9 =	smov.u32 s2;
	[sflag:s7] =	ssyncpa.u1 $0x0;
	p0 =	por $0x0, $0x0  }
0xd: {  	s5 =	sadd.s32 $0x168E00, s6;
	s6 =	sadd.s32 $0xE00, s6;
	s7 =	sadd.s32 $0x1, s4  }
.LBB1_4:
0xe: {  	[tilespmem:s22+$0xFFFFFFFA ss:$0x81] =	vst.msk $0xff, v4  }
0xf: {  	v4 =	vld.msk [tilespmem:s23+$0xFFFFFFF0], $0xff;
	_ =	sdelay $0x3  }
0x10: {  	[tilespmem:s19+$0xFFFFFFFB ss:$0x81] =	vst.msk $0xff, v3  }
0x11: {  	v3 =	vld.msk [tilespmem:s21+$0xFFFFFFF8], $0xff;
	[tilespmem:s22+$0xFFFFFFFB ss:$0x81] =	vst.msk $0xff, v4  }
0x12: {  	v4 =	vld.msk [tilespmem:s23+$0xFFFFFFF8], $0xff;
	_ =	sdelay $0x3  }
0x13: {  	v5 =	vld.msk [tilespmem:s20+$0x0], $0xff;
	[tilespmem:s19+$0xFFFFFFFC ss:$0x81] =	vst.msk $0xff, v3  }
0x14: {  	v3 =	vld.msk [tilespmem:s21+$0x0], $0xff;
	[tilespmem:s22+$0xFFFFFFFC ss:$0x81] =	vst.msk $0xff, v4  }
0x15: {  	v4 =	vld.msk [tilespmem:s23+$0x0], $0xff;
	_ =	sdelay $0x2  }
0x16: {  	[tilespmem:s18+$0xFFFFFFFD ss:$0x81] =	vst.msk $0xff, v5  }
0x17: {  	v5 =	vld.msk [tilespmem:s20+$0x8], $0xff;
	[tilespmem:s19+$0xFFFFFFFD ss:$0x81] =	vst.msk $0xff, v3  }
0x18: {  	v3 =	vld.msk [tilespmem:s21+$0x8], $0xff;
	[tilespmem:s22+$0xFFFFFFFD ss:$0x81] =	vst.msk $0xff, v4  }
0x19: {  	v4 =	vld.msk [tilespmem:s23+$0x8], $0xff  }
0x1a: {  	s25 =	sshrl.u32 s11, $0x3  }
0x1b: {  	[tilespmem:s15+$0xFFFFFFFE ss:$0x81] =	vst.msk $0xff, v2;
	s26 =	sshll.u32 s12, $0x3;
	s25 =	smul.u32 $0x3C0000, s25  }
0x1c: {  	v2 =	vld.msk [tilespmem:s17+$0x10], $0xff;
	s26 =	sand.u32 $0xFFFFFC00, s26;
	[tilespmem:s18+$0xFFFFFFFE ss:$0x81] =	vst.msk $0xff, v5  }
0x1d: {  	s25 =	sadd.s32 s26, s25;
	v5 =	vld.msk [tilespmem:s20+$0x10], $0xff;
	[tilespmem:s19+$0xFFFFFFFE ss:$0x81] =	vst.msk $0xff, v3  }
0x1e: {  	s31 =	sshll.u32 s11, $0x7;
	s26 =	smulhi.u32 $0x88888889, s25;
	v3 =	vld.msk [tilespmem:s21+$0x10], $0xff;
	[tilespmem:s22+$0xFFFFFFFE ss:$0x81] =	vst.msk $0xff, v4  }
0x1f: {  	s27 =	sand.u32 $0x7F, s12;
	s11 =	sand.u32 $0x380, s31;
	v4 =	vld.msk [tilespmem:s23+$0x10], $0xff  }
0x20: {  	[tilespmem:s14+$0xFFFFFFFF ss:$0x81] =	vst.msk $0xff, v1;
	s11 =	sor.u32 s27, s11;
	s28 =	sshrl.u32 s26, $0x12  }
0x21: {  	v1 =	vld.msk [tilespmem:s16+$0x18], $0xff;
	s11 =	sor.u32 s25, s11;
	[tilespmem:s15+$0xFFFFFFFF ss:$0x81] =	vst.msk $0xff, v2;
	s29 =	smul.u32 $0x2AAB, s28  }
0x22: {  	s30 =	smulhi.u32 $0x88888889, s11;
	v2 =	vld.msk [tilespmem:s17+$0x18], $0xff;
	[tilespmem:s18+$0xFFFFFFFF ss:$0x81] =	vst.msk $0xff, v5  }
0x23: {  	s16 =	sshrl.u32 s29, $0x12;
	v61 =	vld.msk [tilespmem:s20+$0x18], $0xff;
	[tilespmem:s19+$0xFFFFFFFF ss:$0x81] =	vst.msk $0xff, v3  }
0x24: {  	s17 =	sshrl.u32 s30, $0x12;
	s16 =	smul.u32 $0x18, s16;
	v62 =	vld.msk [tilespmem:s21+$0x18], $0xff;
	[tilespmem:s22+$0xFFFFFFFF ss:$0x81] =	vst.msk $0xff, v4  }
0x25: {  	[tilespmem:s13+$0x0 ss:$0x81] =	vst.msk $0xff, v0;
	s31 =	smul.u32 $0x78000, s17;
	v63 =	vld.msk [tilespmem:s23+$0x18], $0xff  }
0x26: {  	[tilespmem:s14+$0x0 ss:$0x81] =	vst.msk $0xff, v1;
	s12 =	ssub.s32 s28, s16  }
0x27: {  	s11 =	ssub.s32 s11, s31;
	[tilespmem:s15+$0x0 ss:$0x81] =	vst.msk $0xff, v2;
	s12 =	sand.u32 $0xFFFF, s12  }
0x28: {  	s13 =	sshrl.u32 s11, $0x3;
	s12 =	smul.u32 $0xF000, s12;
	[tilespmem:s18+$0x0 ss:$0x81] =	vst.msk $0xff, v61  }
0x29: {  	s13 =	sadd.s32 s6, s13;
	[tilespmem:s19+$0x0 ss:$0x81] =	vst.msk $0xff, v62  }
0x2a: {  	s11 =	sand.u32 $0x7, s11;
	s12 =	sadd.s32 s12, s13;
	[tilespmem:s22+$0x0 ss:$0x81] =	vst.msk $0xff, v63  }
0x2b: {  	[hbm4b:s12+s11] =	stream.linear.scatter [tilespmem:s24], [sflag:$0x2], $0x400, $0x20;
	[tilespmem:$0x1010] =	vst v63  }
.LBB1_5:
0x2c: {  	s13 =	sadd.s32 $0x8, s8  }
0x2d: {  	s11 =	sadd.s32 $0x1000, s9;
	s15 =	smov.u32 s9;
	p2 =	sgt.s32 s13, $0x13  }
0x2e: {  	s15 =	smov.u32 @p2 s11  }
0x2f: {  	s13 =	simm.s32 @p2 $0x0;
	p2 =	sgt.s32 s15, $0x77FFF  }
0x30: {  	s15 =	smov.u32 @p2 s2;
	p2 =	sne.s32 s10, s7  }
.Ltmp1:
0x31: {  	p1 =	slt.u32 s10, $0x2;
	(pc) =	sbr.rel @!p2 .LBB1_6-.Ltmp1, $4  }
0x32: {  	s14 =	simm.s32 @!p1 $0x2  }
0x33: {  	s12 =	smov.u32 s9;
	p0 =	por !p0, !p0;
	_ =	swait.ge @!p1 [sflag:s14], $0x400  }
0x34: {  	s11 =	smov.u32 s8;
	[sflag:s14] =	ssyncset.done @!p1 $0x0;
	s8 =	smov.u32 s13  }
0x35: {  	s10 =	sadd.s32 $0x1, s10;
	[sflag:s14] =	ssyncadd.s32 @!p1 $0xFFFFFC00;
	s9 =	smov.u32 s15  }
.LBB1_1:
0x36: {  	p1 =	sge.u32 s10, s4  }
0x37: {  	s13 =	sshll.u32 @!p1 s9, $0x7;
	s14 =	sshll.u32 @!p1 s8, $0x3  }
0x38: {  	s15 =	sand.u32 @!p1 $0xFFFFFC00, s13;
	s14 =	sand.u32 @!p1 $0xFFFFFC00, s14  }
0x39: {  	s13 =	sand.u32 @!p1 $0x380, s13;
	s14 =	sadd.s32 @!p1 s15, s14  }
0x3a: {  	s13 =	sor.u32 @!p1 s13, s14  }
0x3b: {  	s13 =	sshrl.u32 @!p1 s13, $0x7  }
0x3c: {  	s14 =	smulhi.u32 @!p1 $0x2222223, s13;
	_ =	sdelay $0x1  }
0x3d: {  	s15 =	sxor.u32 @!p1 $0xFFFFFFFF, s10;
	s14 =	sshrl.u32 @!p1 s14, $0xC  }
0x3e: {  	s15 =	sshll.u32 @!p1 s15, $0xA;
	s14 =	smul.u32 @!p1 $0x78000, s14  }
0x3f: {  	s31 =	sadd.s32 $0xFFFFFFFF, s10;
	s16 =	sshrl.u32 @!p1 s8, $0x3;
	s15 =	sand.u32 @!p1 $0x400, s15  }
0x40: {  	s13 =	ssub.s32 @!p1 s13, s14;
	s14 =	sand.u32 @!p1 $0xF, s16;
	s16 =	sand.u32 @!p1 $0x7, s8  }
0x41: {  	s13 =	sshll.u32 @!p1 s13, $0x4;
	s14 =	sadd.s32 @!p1 s5, s14;
	s16 =	sshll.u32 @!p1 s16, $0x12  }
0x42: {  	s13 =	sadd.s32 @!p1 s13, s14;
	s14 =	sor.u32 @!p1 $0x8, s16;
	s16 =	simm.s32 @!p1 $0x80  }
0x43: {  	[tilespmem:s15], [sflag:$0x1] =	stream.strided.gather @!p1 [hbm4b:s13+s14], $0x400, s16, s14, $0x38;
	[tilespmem:$0x1010] =	vst v63  }
0x44: {  	p1 =	sge.u32 s31, s4  }
.Ltmp2:
0x45: {  	_ = 	snop;
	(pc) =	sbr.rel @p1 .LBB1_5-.Ltmp2, $1  }
0x46: {  	_ =	sdelay $0x3  }
0x47: {  	s13 =	simm.s32 $0x1  }
0x48: {  	_ =	swait.ge [sflag:s3], $0x400;
	s13 =	simm.s32 @!p0 $0x0  }
0x49: {  	[sflag:s3] =	ssyncset.done $0x0;
	s14 =	sshll.u32 s13, $0xA  }
0x4a: {  	[sflag:s3] =	ssyncadd.s32 $0xFFFFFC00;
	s22 =	sor.u32 $0x20, s14  }
0x4b: {  	v0 =	vld.msk [tilespmem:s22+$0xFFFFFFE0], $0xff  }
0x4c: {  	s13 =	smul.u32 $0x1020, s13;
	_ =	sdelay $0x1  }
0x4d: {  	s13 =	sshrl.u32 s13, $0x2  }
0x4e: {  	s13 =	sor.u32 $0x807, s13  }
0x4f: {  	[tilespmem:s13+$0xFFFFFFF9 ss:$0x81] =	vst.msk $0xff, v0  }
0x50: {  	v0 =	vld.msk [tilespmem:s22+$0xFFFFFFE8], $0xff  }
0x51: {  	s16 =	sadd.s32 $0x40, s22  }
0x52: {  	v1 =	vld.msk [tilespmem:s16+$0xFFFFFFE0], $0xff;
	_ =	sdelay $0x2  }
0x53: {  	[tilespmem:s13+$0xFFFFFFFA ss:$0x81] =	vst.msk $0xff, v0  }
0x54: {  	s14 =	sadd.s32 $0x8, s13;
	v0 =	vld.msk [tilespmem:s22+$0xFFFFFFF0], $0xff  }
0x55: {  	[tilespmem:s14+$0xFFFFFFF9 ss:$0x81] =	vst.msk $0xff, v1  }
0x56: {  	v1 =	vld.msk [tilespmem:s16+$0xFFFFFFE8], $0xff  }
0x57: {  	s17 =	sadd.s32 $0x40, s16  }
0x58: {  	v2 =	vld.msk [tilespmem:s17+$0xFFFFFFE0], $0xff  }
0x59: {  	[tilespmem:s13+$0xFFFFFFFB ss:$0x81] =	vst.msk $0xff, v0  }
0x5a: {  	v0 =	vld.msk [tilespmem:s22+$0xFFFFFFF8], $0xff  }
0x5b: {  	[tilespmem:s14+$0xFFFFFFFA ss:$0x81] =	vst.msk $0xff, v1  }
0x5c: {  	s15 =	sadd.s32 $0x8, s14;
	v1 =	vld.msk [tilespmem:s16+$0xFFFFFFF0], $0xff  }
0x5d: {  	[tilespmem:s15+$0xFFFFFFF9 ss:$0x81] =	vst.msk $0xff, v2  }
0x5e: {  	s20 =	sadd.s32 $0x40, s17;
	v2 =	vld.msk [tilespmem:s17+$0xFFFFFFE8], $0xff  }
0x5f: {  	[tilespmem:s13+$0xFFFFFFFC ss:$0x81] =	vst.msk $0xff, v0;
	v0 =	vld.msk [tilespmem:s20+$0xFFFFFFE0], $0xff  }
0x60: {  	v3 =	vld.msk [tilespmem:s22+$0x0], $0xff  }
0x61: {  	[tilespmem:s14+$0xFFFFFFFB ss:$0x81] =	vst.msk $0xff, v1  }
0x62: {  	v1 =	vld.msk [tilespmem:s16+$0xFFFFFFF8], $0xff  }
0x63: {  	s18 =	sadd.s32 $0x8, s15;
	[tilespmem:s15+$0xFFFFFFFA ss:$0x81] =	vst.msk $0xff, v2  }
0x64: {  	v2 =	vld.msk [tilespmem:s17+$0xFFFFFFF0], $0xff;
	[tilespmem:s18+$0xFFFFFFF9 ss:$0x81] =	vst.msk $0xff, v0  }
0x65: {  	v0 =	vld.msk [tilespmem:s20+$0xFFFFFFE8], $0xff;
	[tilespmem:s13+$0xFFFFFFFD ss:$0x81] =	vst.msk $0xff, v3  }
0x66: {  	s21 =	sadd.s32 $0x40, s20;
	v3 =	vld.msk [tilespmem:s22+$0x8], $0xff  }
0x67: {  	[tilespmem:s14+$0xFFFFFFFC ss:$0x81] =	vst.msk $0xff, v1;
	v1 =	vld.msk [tilespmem:s21+$0xFFFFFFE0], $0xff  }
0x68: {  	v4 =	vld.msk [tilespmem:s16+$0x0], $0xff  }
0x69: {  	[tilespmem:s15+$0xFFFFFFFB ss:$0x81] =	vst.msk $0xff, v2  }
0x6a: {  	v2 =	vld.msk [tilespmem:s17+$0xFFFFFFF8], $0xff;
	[tilespmem:s18+$0xFFFFFFFA ss:$0x81] =	vst.msk $0xff, v0  }
0x6b: {  	s19 =	sadd.s32 $0x8, s18;
	v0 =	vld.msk [tilespmem:s20+$0xFFFFFFF0], $0xff;
	[tilespmem:s13+$0xFFFFFFFE ss:$0x81] =	vst.msk $0xff, v3  }
0x6c: {  	[tilespmem:s19+$0xFFFFFFF9 ss:$0x81] =	vst.msk $0xff, v1;
	v1 =	vld.msk [tilespmem:s22+$0x10], $0xff  }
0x6d: {  	[tilespmem:s14+$0xFFFFFFFD ss:$0x81] =	vst.msk $0xff, v4;
	v3 =	vld.msk [tilespmem:s21+$0xFFFFFFE8], $0xff  }
0x6e: {  	s23 =	sadd.s32 $0x40, s21;
	v4 =	vld.msk [tilespmem:s16+$0x8], $0xff  }
0x6f: {  	[tilespmem:s15+$0xFFFFFFFC ss:$0x81] =	vst.msk $0xff, v2;
	v2 =	vld.msk [tilespmem:s23+$0xFFFFFFE0], $0xff  }
0x70: {  	v5 =	vld.msk [tilespmem:s17+$0x0], $0xff;
	[tilespmem:s18+$0xFFFFFFFB ss:$0x81] =	vst.msk $0xff, v0  }
0x71: {  	v6 =	vld.msk [tilespmem:s20+$0xFFFFFFF8], $0xff;
	[tilespmem:s13+$0xFFFFFFFF ss:$0x81] =	vst.msk $0xff, v1  }
0x72: {  	s24 =	sand.u32 $0x1, s10;
	[tilespmem:s19+$0xFFFFFFFA ss:$0x81] =	vst.msk $0xff, v3;
	v0 =	vld.msk [tilespmem:s22+$0x18], $0xff  }
0x73: {  	s24 =	smul.u32 $0x1020, s24;
	[tilespmem:s14+$0xFFFFFFFE ss:$0x81] =	vst.msk $0xff, v4;
	v3 =	vld.msk [tilespmem:s21+$0xFFFFFFF0], $0xff;
	s22 =	sadd.s32 $0x8, s19  }
0x74: {  	v1 =	vld.msk [tilespmem:s16+$0x10], $0xff;
	[tilespmem:s22+$0xFFFFFFF9 ss:$0x81] =	vst.msk $0xff, v2  }
0x75: {  	s24 =	sshrl.u32 s24, $0x2;
	[tilespmem:s15+$0xFFFFFFFD ss:$0x81] =	vst.msk $0xff, v5;
	v4 =	vld.msk [tilespmem:s23+$0xFFFFFFE8], $0xff  }
0x76: {  	s25 =	simm.s32 $0x28;
	s24 =	sor.u32 $0x800, s24;
	s26 =	sadd.s32 $0x40, s23;
	v2 =	vld.msk [tilespmem:s17+$0x8], $0xff;
	[tilespmem:s18+$0xFFFFFFFC ss:$0x81] =	vst.msk $0xff, v6  }
.LBB1_3:
0x77: {  	v5 =	vld.msk [tilespmem:s26+$0xFFFFFFE0], $0xff;
	[tilespmem:s13+$0x0 ss:$0x81] =	vst.msk $0xff, v0;
	s13 =	smov.u32 s14;
	s14 =	smov.u32 s15;
	s15 =	smov.u32 s18  }
0x78: {  	s25 =	sadd.s32 $0x8, s25;
	s18 =	smov.u32 s19;
	[tilespmem:s19+$0xFFFFFFFB ss:$0x81] =	vst.msk $0xff, v3;
	v6 =	vld.msk [tilespmem:s20+$0x0], $0xff;
	s19 =	smov.u32 s22  }
0x79: {  	p1 =	slt.u32 s25, $0x78;
	v7 =	vld.msk [tilespmem:s21+$0xFFFFFFF8], $0xff;
	[tilespmem:s13+$0xFFFFFFFF ss:$0x81] =	vst.msk $0xff, v1  }
.Ltmp3:
0x7a: {  	[tilespmem:s22+$0xFFFFFFFA ss:$0x81] =	vst.msk $0xff, v4;
	v0 =	vld.msk [tilespmem:s16+$0x18], $0xff;
	s16 =	smov.u32 s17;
	s17 =	smov.u32 s20;
	(pc) =	sbr.rel @p1 .LBB1_3-.Ltmp3, $4  }
0x7b: {  	s22 =	sadd.s32 $0x8, s22;
	s20 =	smov.u32 s21;
	s21 =	smov.u32 s23;
	v3 =	vld.msk [tilespmem:s23+$0xFFFFFFF0], $0xff;
	[tilespmem:s14+$0xFFFFFFFE ss:$0x81] =	vst.msk $0xff, v2  }
0x7c: {  	s23 =	smov.u32 s26;
	[tilespmem:s22+$0xFFFFFFF9 ss:$0x81] =	vst.msk $0xff, v5;
	v1 =	vld.msk [tilespmem:s16+$0x10], $0xff  }
0x7d: {  	v4 =	vld.msk [tilespmem:s26+$0xFFFFFFE8], $0xff;
	[tilespmem:s15+$0xFFFFFFFD ss:$0x81] =	vst.msk $0xff, v6  }
0x7e: {  	s26 =	sadd.s32 $0x40, s26;
	[tilespmem:s18+$0xFFFFFFFC ss:$0x81] =	vst.msk $0xff, v7;
	v2 =	vld.msk [tilespmem:s17+$0x8], $0xff  }
.Ltmp4:
0x7f: {  	_ = 	snop;
	(pc) =	sbr.rel .LBB1_4-.Ltmp4, $1  }
0x80: {  	_ =	sdelay $0x3  }
.LBB1_6:
0x81: {  	_ =	sfence.sel $0x180000  }
0x82: {  	s2 =	simm.s32 $0x1;
	[bflag:$0x0] =	sbarrier.arrive $0xFFFF  }
0x83: {  	s31 =	simm.s32 $0x2;
	[sflag:s2] =	ssyncpa.u1 $0x1  }
0x84: {  	[sflag:s31] =	ssyncpa.u1 $0x1  }
0x85: {  	p0 =	sne.s32 s0, $0x0;
	_ =	strace $0x9000004A  }
0x86: {  	s0 =	sadd.s32 @!p0 $0x100000, s1;
	[bflag:$0x2] =	sbarrier.arrive $0xFFFF  }
0x87: {  	[sflag:s0] =	ssyncadd.tile.s32 @!p0 $0x1;
	_ =	shalt  }
.Lfunc_end1:
_tile_overlayer_lowered:
.L_overlay_start_2:
0x88: {  	(tag) =	ssettag $0x2  }
0x89: {  	s0 =	rddreg [dreg:$0x0];
	s2 =	stileid.u32  }
0x8a: {  	s1 =	rddreg [dreg:$0x1];
	p0 =	sne.s32 s2, $0x0  }
0x8b: {  	s3 =	rddreg [dreg:$0x2];
	[bflag:$0x3] =	sbarrier.arrive $0xFFFF;
	s2 =	simm.s32 @!p0 $0x1C01  }
0x8c: {  	[timem:s3], [sflag:s2] =	dma.local @!p0 [hbm:s0], s1  }
0x8d: {  	s0 =	simm.s32 @!p0 $0x1  }
0x8e: {  	_ =	swait.ge @!p0 [sflag:s0], s1  }
0x8f: {  	s1 =	ssub.s32 @!p0 $0x0, s1;
	[sflag:s0] =	ssyncset.done @!p0 $0x0  }
0x90: {  	[sflag:s0] =	ssyncadd.s32 @!p0 s1  }
0x91: {  	[bflag:$0x3] =	sbarrier.arrive $0xFFFF  }
0x92: {  	_ =	shalt  }

// kernel: sparse-core-data-format-call.cloned.1.call-start
scs
called_computation_lowered:
.L_overlay_start_0:
0x0: {  	s2 =	sld [smem:$0x3FD9]  }
0x1: {  	s3 =	sld [smem:$0x3FFE];
	_ =	sdelay $0x1  }
0x2: {  	s1 =	srdreg.scid  }
0x3: {  	s0 =	sand.u32 $0x1, s1  }
0x4: {  	s18 =	sshll.u32 s0, $0xA;
	s2 =	sadd.s32 s3, s2  }
0x5: {  	s2 =	sadd.s32 s2, s18  }
0x6: {  	[smem:$0x3FC6] =	sst s2  }
0x7: {  	_ = 	snop  }
0x8: {  	s2 =	sld [smem:$0x3FD0];
	(tm) =	ssettm $0x1  }
0x9: {  	s19 =	sld [smem:$0x3FFB];
	_ =	sdelay $0x3  }
0xa: {  	_ =	strace s19  }
0xb: {  	s3 =	sld [smem:$0x3FFC];
	_ =	sdelay $0x3  }
0xc: {  	_ =	strace s3  }
0xd: {  	s3 =	sld [smem:$0x3FFD];
	_ =	sdelay $0x3  }
0xe: {  	_ =	strace s3  }
0xf: {  	_ =	strace $0x8FFFFFFF  }
0x10: {  	s20 =	sld [smem:$0x3FDB];
	_ =	sdelay $0x1  }
0x11: {  	s4 =	simm.s32 $_scs_section_size  }
0x12: {  	s5 =	simm.s32 $_size__tile_overlayer_lowered;
	s6 =	simm.s32 $_tile_overlayer_lowered  }
0x13: {  	s23 =	simm.s32 $0x1BFF;
	s22 =	sshll.u32 s6, $0x1;
	s3 =	sadd.s32 s4, s20  }
0x14: {  	s7 =	simm.s32 $0x0;
	s21 =	sshll.u32 s5, $0x1;
	s5 =	sadd.s32 s22, s3  }
0x15: {  	[timem:s7], [sflag:s23] =	dma.local [hbm:s5], s21  }
0x16: {  	_ =	swait.ge [sflag:s23], s21  }
0x17: {  	s4 =	ssub.s32 $0x0, s21;
	[sflag:s23] =	ssyncset.done $0x0  }
0x18: {  	[sflag:s23] =	ssyncadd.s32 s4;
	_ =	sdelay $0x1  }
0x19: {  	s24 =	simm.s32 $0x1B8B  }
0x1a: {  	_ =	swait.ge [sflag:s24], $0x1  }
0x1b: {  	[sflag:s24] =	ssyncset.done $0x0  }
0x1c: {  	s26 =	simm.s32 $0x1B8E;
	s25 =	sld [smem:$0x3FFE];
	[sflag:s24] =	ssyncadd.s32 $0xFFFFFFFF  }
0x1d: {  	s27 =	simm.s32 $execute0_lowered;
	[smem:$0x3FD2] =	sst s26  }
0x1e: {  	s5 =	sshll.u32 s27, $0x1;
	_ =	strace $0x8000004C;
	[dreg:$0x1] =	wrdreg $0xFFFFFFFF  }
0x1f: {  	s28 =	simm.s32 $_size_execute0_lowered;
	s3 =	sadd.s32 s3, s5;
	[dreg:$0x0] =	wrdreg $0x0  }
0x20: {  	s5 =	sshll.u32 s28, $0x1;
	[dreg:$0x2] =	wrdreg s3  }
0x21: {  	[dreg:$0x3] =	wrdreg s5  }
0x22: {  	[dreg:$0x4] =	wrdreg $0xC0  }
0x23: {  	_ =	task [dreg:s7], $0x5FFFF  }
0x24: {  	[dreg:$0x1] =	wrdreg $0xFFFFFFFF  }
0x25: {  	[dreg:$0x0] =	wrdreg $0x60  }
0x26: {  	[dreg:$0x2] =	wrdreg s25  }
0x27: {  	[dreg:$0x3] =	wrdreg s2  }
0x28: {  	[dreg:$0x4] =	wrdreg $0x9  }
0x29: {  	_ =	task.clear_ibuf [dreg:s7], $0x5FFFF;
	_ =	strace $0x9000004C  }
0x2a: {  	s29 =	simm.s32 $0x9;
	_ =	strace $0x8000004E  }
0x2b: {  	_ =	swait.ge [sflag:s29], $0x1  }
0x2c: {  	[sflag:s29] =	ssyncadd.s32 $0xFFFFFFFF  }
0x2d: {  	_ =	strace $0x9000004E  }
0x2e: {  	_ =	sfence  }
0x2f: {  	s30 =	sld [smem:$0x0];
	_ =	sdelay $0x2  }
0x30: {  	s31 =	sshll.u32 s1, $0xD;
	s1 =	sshrl.u32 s1, $0x2  }
0x31: {  	s3 =	sand.u32 $0x4000, s31;
	s1 =	sadd.s32 s1, s30  }
0x32: {  	s0 =	sor.u32 s3, s0;
	s1 =	sshll.u32 s1, $0x11  }
0x33: {  	s0 =	sor.u32 s1, s0  }
0x34: {  	s0 =	sadd.s32 $0x8F2B, s0  }
0x35: {  	[sflag:s0] =	ssyncadd.remote.s32 $0x1  }
0x36: {  	_ =	sfence.sel $0xFFFF  }
0x37: {  	[dreg:$0x0] =	wrdreg $0xFFFFFFFF;
	(pc) =	sbr.abs _section_cstart, $3  }
0x38: {  	[dreg:$0x1] =	wrdreg $0xFFFFFFFF  }
0x39: {  	_ =	task.clear_ibuf [dreg:s7], $0x2FFFF;
	_ =	strace $0x9FFFFFFF  }
0x3a: {  	(tm) =	ssettm $0x7FFFFFFF  }
0x3b: {  	_ =	shalt  }
tec
execute0_lowered:
.L_overlay_start_1:
0x0: {  	(tag) =	ssettag $0x1  }
0x1: {  	s0 =	srdreg.scid  }
0x2: {  	s1 =	sshll.u32 s0, $0x4  }
0x3: {  	s9 =	rddreg [dreg:$0x0];
	s0 =	stileid.u32;
	s1 =	sand.u32 $0x10, s1  }
0x4: {  	s3 =	rddreg [dreg:$0x1];
	s5 =	simm.s32 $0x1;
	s1 =	sor.u32 s0, s1  }
0x5: {  	s7 =	simm.s32 $0x2;
	s15 =	simm.s32 $0x0;
	s2 =	sshll.u32 s1, $0x7  }
0x6: {  	s11 =	simm.s32 $0x20000;
	s16 =	simm.s32 $0x0;
	s4 =	ssub.s32 $0x4000, s2  }
0x7: {  	s13 =	simm.s32 $0x0;
	s14 =	simm.s32 $0x0;
	s31 =	sand.u32 $0xF80, s4  }
0x8: {  	s8 =	sadd.s32 $0x1E8E00, s9;
	s1 =	rddreg [dreg:$0x2];
	p0 =	sne.s32 s31, $0x0  }
.Ltmp0:
0x9: {  	s6 =	sshrl.u32 s4, $0xC;
	s5 =	simm.s32 @!p0 $0x0;
	(pc) =	sbr.rel .LBB1_1-.Ltmp0, $4  }
0xa: {  	_ =	strace $0x8000004D;
	s4 =	simm.s32 $0x1;
	s5 =	sadd.s32 s5, s6  }
0xb: {  	s12 =	smov.u32 s2;
	[sflag:s4] =	ssyncpa.u1 $0x0;
	s5 =	smul.u32 $0x5, s5  }
0xc: {  	[sflag:s7] =	ssyncpa.u1 $0x0;
	s7 =	sadd.s32 $0x1A8E00, s9;
	p0 =	por $0x0, $0x0  }
0xd: {  	s6 =	sadd.s32 $0x168E00, s9;
	s9 =	sadd.s32 $0x228E00, s9;
	s10 =	sadd.s32 $0x1, s5  }
.LBB1_7:
0xe: {  	s17 =	sadd.s32 $0x1000, s12  }
0xf: {  	s15 =	sadd.s32 $0x4, s13;
	s19 =	smov.u32 s13;
	p2 =	sgt.s32 s17, $0x3FFF  }
0x10: {  	s19 =	smov.u32 @p2 s15  }
0x11: {  	s17 =	smov.u32 @p2 s2;
	p2 =	sgt.s32 s19, $0x13  }
0x12: {  	s19 =	simm.s32 @p2 $0x0;
	p2 =	sne.s32 s14, s10  }
.Ltmp1:
0x13: {  	p1 =	slt.u32 s14, $0x2;
	(pc) =	sbr.rel @!p2 .LBB1_8-.Ltmp1, $4  }
0x14: {  	s18 =	simm.s32 @!p1 $0x2  }
0x15: {  	s16 =	smov.u32 s13;
	p0 =	por !p0, !p0;
	_ =	swait.ge @!p1 [sflag:s18], $0x4000  }
0x16: {  	s15 =	smov.u32 s12;
	[sflag:s18] =	ssyncset.done @!p1 $0x0;
	s12 =	smov.u32 s17  }
0x17: {  	s14 =	sadd.s32 $0x1, s14;
	[sflag:s18] =	ssyncadd.s32 @!p1 $0xFFFFC000;
	s13 =	smov.u32 s19  }
.LBB1_1:
0x18: {  	p1 =	sge.u32 s14, s5  }
0x19: {  	s17 =	sxor.u32 @!p1 $0xFFFFFFFF, s14  }
0x1a: {  	s18 =	sshll.u32 @!p1 s13, $0x12;
	s19 =	sshll.u32 @!p1 s12, $0x4;
	s21 =	simm.s32 @!p1 $0x20  }
0x1b: {  	s17 =	sshll.u32 @!p1 s17, $0xE;
	s19 =	sand.u32 @!p1 $0x3FFF0, s19;
	s20 =	sadd.s32 @!p1 s6, s18  }
0x1c: {  	s22 =	simm.s32 @!p1 $0x80;
	s17 =	sand.u32 @!p1 $0x4000, s17;
	s20 =	sadd.s32 @!p1 s19, s20  }
0x1d: {  	[tilespmem:s17], [sflag:$0x1] =	stream.strided.gather @!p1 [hbm4b:s20+s21], $0x1000, s22, s21, $0x38;
	[tilespmem:$0x10100] =	vst v63  }
0x1e: {  	s20 =	sadd.s32 @!p1 s18, s7  }
0x1f: {  	s23 =	sor.u32 @!p1 $0x1000, s17;
	s20 =	sadd.s32 @!p1 s19, s20  }
0x20: {  	[tilespmem:s23], [sflag:$0x1] =	stream.strided.gather @!p1 [hbm4b:s20+s21], $0x1000, s22, s21, $0x38;
	[tilespmem:$0x10100] =	vst v63  }
0x21: {  	s20 =	sadd.s32 @!p1 s18, s8  }
0x22: {  	s23 =	sor.u32 @!p1 $0x2000, s17;
	s18 =	sadd.s32 @!p1 s18, s9;
	s20 =	sadd.s32 @!p1 s19, s20  }
0x23: {  	[tilespmem:s23], [sflag:$0x1] =	stream.strided.gather @!p1 [hbm4b:s20+s21], $0x1000, s22, s21, $0x38;
	[tilespmem:$0x10100] =	vst v63  }
0x24: {  	s31 =	sadd.s32 $0xFFFFFFFF, s14;
	s17 =	sor.u32 @!p1 $0x3000, s17;
	s18 =	sadd.s32 @!p1 s19, s18  }
0x25: {  	[tilespmem:s17], [sflag:$0x1] =	stream.strided.gather @!p1 [hbm4b:s18+s21], $0x1000, s22, s21, $0x38;
	[tilespmem:$0x10100] =	vst v63  }
0x26: {  	p1 =	sge.u32 s31, s5  }
.Ltmp2:
0x27: {  	_ = 	snop;
	(pc) =	sbr.rel @p1 .LBB1_7-.Ltmp2, $1  }
0x28: {  	_ =	sdelay $0x3  }
0x29: {  	s17 =	simm.s32 $0x1;
	s19 =	sand.u32 $0x1, s14  }
0x2a: {  	_ =	swait.ge [sflag:s4], $0x4000;
	s17 =	simm.s32 @!p0 $0x0;
	s20 =	smul.u32 $0x10200, s19  }
0x2b: {  	[sflag:s4] =	ssyncset.done $0x0;
	s18 =	smul.u32 $0x10200, s17  }
0x2c: {  	s17 =	sshll.u32 s17, $0xE;
	[sflag:s4] =	ssyncadd.s32 $0xFFFFC000  }
0x2d: {  	s19 =	sor.u32 $0x10, s17;
	s31 =	sshrl.u32 s20, $0x2;
	s18 =	sshrl.u32 s18, $0x2  }
0x2e: {  	s20 =	simm.s32 $0x0;
	s17 =	sor.u32 $0x8000, s31;
	s18 =	sor.u32 $0x8000, s18  }
.LBB1_3:
0x2f: {  	v1 =	vld [tilespmem:s19+$0x0]  }
0x30: {  	v0 =	vld [tilespmem:s19+$0xFFFFFFF0];
	_ =	sdelay $0x2  }
0x31: {  	s23 =	sadd.s32 $0x0, s18  }
0x32: {  	s21 =	simm.s32 $0x4;
	s22 =	sadd.s32 $0x20, s19;
	[tilespmem:s23+$0x810 ss:$0x81] =	vst.msk $0xffff, v1  }
.LBB1_4:
0x33: {  	v1 =	vld [tilespmem:s22+$0x0];
	p1 =	sne.s32 s21, $0x1FC;
	[tilespmem:s23+$0x0 ss:$0x81] =	vst.msk $0xffff, v0;
	s23 =	smov.u32 s21;
	s21 =	sadd.s32 $0x4, s21  }
.Ltmp3:
0x34: {  	v0 =	vld [tilespmem:s22+$0xFFFFFFF0];
	(pc) =	sbr.rel @p1 .LBB1_4-.Ltmp3, $4  }
0x35: {  	_ = 	snop  }
0x36: {  	s23 =	sshra.s32 s23, $0x2  }
0x37: {  	s23 =	sadd.s32 s23, s18  }
0x38: {  	s22 =	sadd.s32 $0x20, s22;
	[tilespmem:s23+$0x810 ss:$0x81] =	vst.msk $0xffff, v1  }
0x39: {  	s20 =	sadd.s32 $0x1, s20  }
0x3a: {  	p1 =	sne.s32 s20, $0x4  }
.Ltmp4:
0x3b: {  	_ = 	snop;
	(pc) =	sbr.rel @p1 .LBB1_3-.Ltmp4, $2  }
0x3c: {  	_ =	sdelay $0x2  }
0x3d: {  	[tilespmem:s23+$0x0 ss:$0x81] =	vst.msk $0xffff, v0;
	s18 =	sadd.s32 $0x1020, s18;
	s19 =	sadd.s32 $0x1000, s19  }
0x3e: {  	s18 =	sshll.u32 s15, $0x3;
	s19 =	sand.u32 $0x78, s15;
	s16 =	sshll.u32 s16, $0x10  }
.Ltmp5:
0x3f: {  	s30 =	sand.u32 $0xF800, s15;
	s18 =	sand.u32 $0x3C00, s18;
	(pc) =	sbr.rel .LBB1_7-.Ltmp5, $4  }
0x40: {  	s31 =	sand.u32 $0x7, s15;
	s16 =	sadd.s32 s3, s16;
	s18 =	sor.u32 s19, s18  }
0x41: {  	s15 =	sshll.u32 s31, $0x12;
	s16 =	sadd.s32 s30, s16;
	s18 =	sshrl.u32 s18, $0x3  }
0x42: {  	s15 =	sor.u32 $0x400, s15;
	s16 =	sadd.s32 s18, s16  }
0x43: {  	[hbm4b:s16+s15] =	stream.strided.scatter [tilespmem:s17], [sflag:$0x2], $0x4000, s11, s15, $0x20;
	[tilespmem:$0x10100] =	vst v63  }
.LBB1_8:
0x44: {  	_ =	sfence.sel $0x180000  }
0x45: {  	s2 =	simm.s32 $0x1;
	[bflag:$0x0] =	sbarrier.arrive $0xFFFF  }
0x46: {  	s31 =	simm.s32 $0x2;
	[sflag:s2] =	ssyncpa.u1 $0x1  }
0x47: {  	[sflag:s31] =	ssyncpa.u1 $0x1  }
0x48: {  	p0 =	sne.s32 s0, $0x0;
	_ =	strace $0x9000004D  }
0x49: {  	s0 =	sadd.s32 @!p0 $0x100000, s1;
	[bflag:$0x2] =	sbarrier.arrive $0xFFFF  }
0x4a: {  	[sflag:s0] =	ssyncadd.tile.s32 @!p0 $0x1;
	_ =	shalt  }
.Lfunc_end1:
_tile_overlayer_lowered:
.L_overlay_start_2:
0x4b: {  	(tag) =	ssettag $0x2  }
0x4c: {  	s0 =	rddreg [dreg:$0x0];
	s2 =	stileid.u32  }
0x4d: {  	s1 =	rddreg [dreg:$0x1];
	p0 =	sne.s32 s2, $0x0  }
0x4e: {  	s3 =	rddreg [dreg:$0x2];
	[bflag:$0x3] =	sbarrier.arrive $0xFFFF;
	s2 =	simm.s32 @!p0 $0x1C01  }
0x4f: {  	[timem:s3], [sflag:s2] =	dma.local @!p0 [hbm:s0], s1  }
0x50: {  	s0 =	simm.s32 @!p0 $0x1  }
0x51: {  	_ =	swait.ge @!p0 [sflag:s0], s1  }
0x52: {  	s1 =	ssub.s32 @!p0 $0x0, s1;
	[sflag:s0] =	ssyncset.done @!p0 $0x0  }
0x53: {  	[sflag:s0] =	ssyncadd.s32 @!p0 s1  }
0x54: {  	[bflag:$0x3] =	sbarrier.arrive $0xFFFF  }
0x55: {  	_ =	shalt  }

</sc_bundles>
